<compile_context>
chip_gen: v7x
topology: tpu7x:2x2x1
jax: 0.10.2.dev20260603
libtpu: 0.0.44.dev20260713+nightly
codegen_flags: <defaults>
</compile_context>

<pallas_src>
import functools

import jax
import jax.numpy as jnp
import numpy as np
from jax import lax
from jax.experimental import pallas as pl
from jax.experimental.pallas import tpu as pltpu
from jax.experimental.pallas import tpu_sc as plsc

N = 10000
E = 320000
D = 128
H = 128
C = 64

NC = 2
NS = 16
NW = NC * NS

CHUNK = 64
EPW = 10240
CPW = EPW // CHUNK
PHASES = 4
HALF = CPW // PHASES
NBUF = 4
E_PAD = NW * EPW
NP = 10112
RPS = NP // NS
DUMMY = N


@functools.lru_cache(maxsize=None)
def _make_sc_segsum(F):
    mesh = plsc.VectorSubcoreMesh(core_axis_name="c", subcore_axis_name="s")

    @functools.partial(
        pl.kernel,
        out_type=jax.ShapeDtypeStruct((NC, NP, F), jnp.float32),
        mesh=mesh,
        scratch_types=[
            pltpu.VMEM((HALF, CHUNK), jnp.int32),
            pltpu.VMEM((HALF, CHUNK), jnp.int32),
            [pltpu.VMEM((CHUNK, F), jnp.float32)] * NBUF,
            pltpu.VMEM_SHARED((NP, F), jnp.float32),
            [pltpu.SemaphoreType.DMA] * NBUF,
        ],
    )
    def segsum(y_hbm, edges_hbm, zeros_hbm, out_hbm,
               srcb, dstb, rows, acc, sems):
        cid = lax.axis_index("c")
        sid = lax.axis_index("s")
        wid = sid * NC + cid
        base = sid * RPS
        pltpu.sync_copy(zeros_hbm, acc.at[pl.ds(base, RPS)])
        plsc.subcore_barrier()

        def gather(i, buf, sem):
            return pltpu.make_async_copy(y_hbm.at[srcb.at[i]], buf, sem)

        def scat(i, buf):
            pltpu.sync_copy(buf, acc.at[dstb.at[i]], add=True)

        @pl.loop(0, PHASES)
        def _(ph):
            pltpu.sync_copy(
                edges_hbm.at[0].at[wid].at[pl.ds(ph * HALF, HALF)], srcb)
            pltpu.sync_copy(
                edges_hbm.at[1].at[wid].at[pl.ds(ph * HALF, HALF)], dstb)
            for b in range(NBUF):
                gather(b, rows[b], sems[b]).start()

            @pl.loop(0, HALF, step=NBUF)
            def _(j):
                for b in range(NBUF):
                    gather(j + b, rows[b], sems[b]).wait()
                    scat(j + b, rows[b])

                    @pl.when(j + b + NBUF < HALF)
                    def _():
                        gather(j + b + NBUF, rows[b], sems[b]).start()

        plsc.subcore_barrier()
        pltpu.sync_copy(acc.at[pl.ds(base, RPS)],
                        out_hbm.at[cid].at[pl.ds(base, RPS)])

    return segsum


def _dot_t(x, w):
    return lax.dot_general(x, w, (((1,), (1,)), ((), ())),
                           preferred_element_type=jnp.float32,
                           precision=lax.Precision.DEFAULT)


BLK = 1000


def _mm_body(x_ref, w_ref, o_ref):
    o_ref[...] = _dot_t(x_ref[...], w_ref[...])


def _tc_matmul(x, w):
    f, k = w.shape
    return pl.pallas_call(
        _mm_body,
        grid=(N // BLK,),
        in_specs=[
            pl.BlockSpec((BLK, k), lambda i: (i, 0)),
            pl.BlockSpec((f, k), lambda i: (0, 0)),
        ],
        out_specs=pl.BlockSpec((BLK, f), lambda i: (i, 0)),
        out_shape=jax.ShapeDtypeStruct((N, f), jnp.float32),
    )(x, w)


def _l2_body(p_ref, r_ref, b_ref, h_ref):
    h_ref[...] = jnp.maximum(p_ref[0] + p_ref[1] + r_ref[...] + b_ref[...],
                             0.0)


def _tc_layer2(p1, r1, b1):
    return pl.pallas_call(
        _l2_body,
        grid=(N // BLK,),
        in_specs=[
            pl.BlockSpec((NC, BLK, H), lambda i: (0, i, 0)),
            pl.BlockSpec((BLK, H), lambda i: (i, 0)),
            pl.BlockSpec((1, H), lambda i: (0, 0)),
        ],
        out_specs=pl.BlockSpec((BLK, H), lambda i: (i, 0)),
        out_shape=jax.ShapeDtypeStruct((N, H), jnp.float32),
    )(p1, r1, b1.reshape(1, H))


def _final_body(p_ref, r_ref, wrel_ref, b_ref, o_ref):
    agg = p_ref[0] + p_ref[1]
    z = _dot_t(agg, wrel_ref[...]) + r_ref[...] + b_ref[...]
    m = jnp.max(z, axis=-1, keepdims=True)
    lse = jnp.log(jnp.sum(jnp.exp(z - m), axis=-1, keepdims=True)) + m
    o_ref[...] = z - lse


def _tc_final(p2, r2, W2_rel, b2):
    return pl.pallas_call(
        _final_body,
        grid=(N // BLK,),
        in_specs=[
            pl.BlockSpec((NC, BLK, H), lambda i: (0, i, 0)),
            pl.BlockSpec((BLK, C), lambda i: (i, 0)),
            pl.BlockSpec((C, H), lambda i: (0, 0)),
            pl.BlockSpec((1, C), lambda i: (0, 0)),
        ],
        out_specs=pl.BlockSpec((BLK, C), lambda i: (i, 0)),
        out_shape=jax.ShapeDtypeStruct((N, C), jnp.float32),
    )(p2, r2, W2_rel, b2.reshape(1, C))


def kernel(g, in_feat, W1_rel, W1_root, b1, W2_rel, W2_root, b2):
    pad = E_PAD - E
    dummy = np.empty((2, pad), np.int32)
    dummy[0] = np.arange(pad, dtype=np.int32) * 131 % N
    dummy[1] = DUMMY + np.arange(pad, dtype=np.int32) % (NP - N)
    edges = jnp.concatenate([in_feat, jnp.asarray(dummy)],
                            axis=1).reshape(2, NW, CPW, CHUNK)
    zeros_h = jnp.zeros((RPS, H), jnp.float32)

    t1 = _tc_matmul(g, W1_rel)
    p1 = _make_sc_segsum(H)(t1, edges, zeros_h)
    r1 = _tc_matmul(g, W1_root)
    h = _tc_layer2(p1, r1, b1)
    p2 = _make_sc_segsum(H)(h, edges, zeros_h)
    r2 = _tc_matmul(h, W2_root)
    return _tc_final(p2, r2, W2_rel, b2)

# --- scband reference (transcript-rebuilt; emitter-appended) ---
"""Pipeline reference for scband-net-5789615915291 (READ-ONLY COPY).

The authoritative reference and input builder live on the scoring server;
editing this copy changes nothing except your own understanding.
"""

import jax, jax.numpy as jnp
import numpy as np

N = 10000
E = 320000
D = 128
H = 128
C = 64


def setup_inputs(seed: int = 0) -> dict:
    key = jax.random.key(seed)
    ks = jax.random.split(key, 9)
    g = jax.random.normal(ks[0], (N, D), dtype=jnp.float32)
    in_feat = jax.random.randint(ks[1], (2, E), 0, N).astype(jnp.int32)
    s = 0.05
    W1_rel = jax.random.normal(ks[2], (H, D), dtype=jnp.float32) * s
    W1_root = jax.random.normal(ks[3], (H, D), dtype=jnp.float32) * s
    b1 = jax.random.normal(ks[4], (H,), dtype=jnp.float32) * s
    W2_rel = jax.random.normal(ks[5], (C, H), dtype=jnp.float32) * s
    W2_root = jax.random.normal(ks[6], (C, H), dtype=jnp.float32) * s
    b2 = jax.random.normal(ks[7], (C,), dtype=jnp.float32) * s
    return {"g": g, "in_feat": in_feat, "W1_rel": W1_rel, "W1_root": W1_root,
            "b1": b1, "W2_rel": W2_rel, "W2_root": W2_root, "b2": b2}


def _graph_conv(x, src, dst, W_rel, W_root, b):
    # PyG GraphConv (aggr='add'): out_i = W_root x_i + W_rel * sum_{j in N(i)} x_j + b
    agg = jnp.zeros(x.shape, dtype=x.dtype).at[dst].add(x[src])
    return agg @ W_rel.T + x @ W_root.T + b


def reference(g, in_feat, W1_rel, W1_root, b1, W2_rel, W2_root, b2):
    src = in_feat[0]
    dst = in_feat[1]
    # CRD: GraphConv -> relu -> dropout (identity at inference)
    h = _graph_conv(g, src, dst, W1_rel, W1_root, b1)
    h = jax.nn.relu(h)
    # CLS: GraphConv -> log_softmax
    out = _graph_conv(h, src, dst, W2_rel, W2_root, b2)
    return jax.nn.log_softmax(out, axis=-1)

if __name__ == "__main__":
    import jax
    _d = setup_inputs()
    print(jax.jit(kernel)(*tuple(_d.values())))

</pallas_src>

<mosaic_0001>
#map = affine_map<(d0, d1) -> (0, 0)>
#map1 = affine_map<(d0, d1) -> (0, 0, 0, 0)>
#map2 = affine_map<(d0, d1) -> (0, 0, 0)>
module attributes {stable_mosaic.version = 14 : i64} {
  func.func @segsum(%arg0: i32, %arg1: i32, %arg2: memref<10000x128xf32, #tpu.memory_space<hbm>>, %arg3: memref<2x32x160x64xi32, #tpu.memory_space<hbm>>, %arg4: memref<632x128xf32, #tpu.memory_space<hbm>>, %arg5: memref<2x10112x128xf32, #tpu.memory_space<hbm>>, %arg6: memref<40x64xi32, #tpu.memory_space<vmem>>, %arg7: memref<40x64xi32, #tpu.memory_space<vmem>>, %arg8: memref<64x128xf32, #tpu.memory_space<vmem>>, %arg9: memref<64x128xf32, #tpu.memory_space<vmem>>, %arg10: memref<64x128xf32, #tpu.memory_space<vmem>>, %arg11: memref<64x128xf32, #tpu.memory_space<vmem>>, %arg12: memref<10112x128xf32, #tpu.memory_space<vmem_shared>>, %arg13: memref<!tpu.dma_semaphore, #tpu.memory_space<semaphore_mem>>, %arg14: memref<!tpu.dma_semaphore, #tpu.memory_space<semaphore_mem>>, %arg15: memref<!tpu.dma_semaphore, #tpu.memory_space<semaphore_mem>>, %arg16: memref<!tpu.dma_semaphore, #tpu.memory_space<semaphore_mem>>) attributes {dimension_semantics = [#tpu.dimension_semantics<core_parallel>, #tpu.dimension_semantics<subcore_parallel>], iteration_bounds = array<i64: 2, 16>, scalar_prefetch = 0 : i64, scratch_operands = 11 : i64, tpu.core_type = #tpu.core_type<sc_vector_subcore>, window_params = [{transform_indices = #map}, {transform_indices = #map1}, {transform_indices = #map}, {transform_indices = #map2}]} {
    %mul3A = arith.constant 2 : i32
    %mul3A_0 = arith.muli %arg1, %mul3A : i32
    %add3A = arith.addi %mul3A_0, %arg0 : i32
    %mul3A_1 = arith.constant 632 : i32
    %mul3A_2 = arith.muli %arg1, %mul3A_1 : i32
    "tpu.region"() ({
      %run_scoped3A = tpu.sem_alloc : memref<!tpu.dma_semaphore, #tpu.memory_space<semaphore_mem>>
      %dma_start3A = arith.constant 0 : i32
      %dma_start3A_8 = tpu.memref_slice %arg12[%mul3A_2, %dma_start3A] : memref<10112x128xf32, #tpu.memory_space<vmem_shared>> -> memref<632x128xf32, #tpu.memory_space<vmem_shared>>
      tpu.enqueue_dma source(%arg4 : memref<632x128xf32, #tpu.memory_space<hbm>>) target(%dma_start3A_8 : memref<632x128xf32, #tpu.memory_space<vmem_shared>>) target_semaphore(%run_scoped3A : memref<!tpu.dma_semaphore, #tpu.memory_space<semaphore_mem>>)
      %dma_wait3A = arith.constant 0 : i32
      %dma_wait3A_9 = tpu.memref_slice %arg12[%mul3A_2, %dma_wait3A] : memref<10112x128xf32, #tpu.memory_space<vmem_shared>> -> memref<632x128xf32, #tpu.memory_space<vmem_shared>>
      tpu.wait_dma2 semaphore(%run_scoped3A : memref<!tpu.dma_semaphore, #tpu.memory_space<semaphore_mem>>) src(%arg4 : memref<632x128xf32, #tpu.memory_space<hbm>>) dst(%dma_wait3A_9 : memref<632x128xf32, #tpu.memory_space<vmem_shared>>)
      tpu.yield
    }) : () -> ()
    %barrier3A = arith.constant 0 : index
    tpu.barrier barrier_id(%barrier3A)
    %scan3A = arith.constant 0 : i32
    %scan3A_3 = arith.constant 4 : i32
    %scan3A_4 = arith.addi %scan3A, %scan3A_3 : i32
    %scan3A_5 = arith.constant 1 : i32
    scf.for %scan3A_8 = %scan3A to %scan3A_4 step %scan3A_5  : i32 {
      %mul3A_9 = arith.constant 1 : i32
      %mul3A_10 = arith.muli %scan3A_8, %mul3A_9 : i32
      %add3A_11 = arith.constant 0 : i32
      %add3A_12 = arith.addi %add3A_11, %mul3A_10 : i32
      %mul3A_13 = arith.constant 40 : i32
      %mul3A_14 = arith.muli %add3A_12, %mul3A_13 : i32
      %run_scoped3A = arith.constant 0 : i32
      "tpu.region"() ({
        %run_scoped3A_50 = tpu.sem_alloc : memref<!tpu.dma_semaphore, #tpu.memory_space<semaphore_mem>>
        %dma_start3A_51 = arith.constant 0 : i32
        %dma_start3A_52 = arith.constant 0 : i32
        %dma_start3A_53 = arith.constant 0 : i32
        %dma_start3A_54 = tpu.memref_slice %arg3[%run_scoped3A, %dma_start3A_51, %dma_start3A_52, %dma_start3A_53] : memref<2x32x160x64xi32, #tpu.memory_space<hbm>> -> memref<1x32x160x64xi32, #tpu.memory_space<hbm>>
        %dma_start3A_55 = tpu.memref_squeeze %dma_start3A_54 : memref<1x32x160x64xi32, #tpu.memory_space<hbm>> -> memref<32x160x64xi32, #tpu.memory_space<hbm>>
        %dma_start3A_56 = arith.constant 0 : i32
        %dma_start3A_57 = arith.constant 0 : i32
        %dma_start3A_58 = tpu.memref_slice %dma_start3A_55[%add3A, %dma_start3A_56, %dma_start3A_57] : memref<32x160x64xi32, #tpu.memory_space<hbm>> -> memref<1x160x64xi32, #tpu.memory_space<hbm>>
        %dma_start3A_59 = tpu.memref_squeeze %dma_start3A_58 : memref<1x160x64xi32, #tpu.memory_space<hbm>> -> memref<160x64xi32, #tpu.memory_space<hbm>>
        %dma_start3A_60 = arith.constant 0 : i32
        %dma_start3A_61 = tpu.memref_slice %dma_start3A_59[%mul3A_14, %dma_start3A_60] : memref<160x64xi32, #tpu.memory_space<hbm>> -> memref<40x64xi32, #tpu.memory_space<hbm>>
        %dma_start3A_62 = arith.constant 0 : i32
        %dma_start3A_63 = arith.constant 0 : i32
        %dma_start3A_64 = arith.constant 0 : i32
        %dma_start3A_65 = tpu.memref_slice %arg3[%run_scoped3A, %dma_start3A_62, %dma_start3A_63, %dma_start3A_64] : memref<2x32x160x64xi32, #tpu.memory_space<hbm>> -> memref<1x32x160x64xi32, #tpu.memory_space<hbm>>
        %dma_start3A_66 = tpu.memref_squeeze %dma_start3A_65 : memref<1x32x160x64xi32, #tpu.memory_space<hbm>> -> memref<32x160x64xi32, #tpu.memory_space<hbm>>
        %dma_start3A_67 = arith.constant 0 : i32
        %dma_start3A_68 = arith.constant 0 : i32
        %dma_start3A_69 = tpu.memref_slice %dma_start3A_66[%add3A, %dma_start3A_67, %dma_start3A_68] : memref<32x160x64xi32, #tpu.memory_space<hbm>> -> memref<1x160x64xi32, #tpu.memory_space<hbm>>
        %dma_start3A_70 = tpu.memref_squeeze %dma_start3A_69 : memref<1x160x64xi32, #tpu.memory_space<hbm>> -> memref<160x64xi32, #tpu.memory_space<hbm>>
        %dma_start3A_71 = arith.constant 0 : i32
        %dma_start3A_72 = tpu.memref_slice %dma_start3A_70[%mul3A_14, %dma_start3A_71] : memref<160x64xi32, #tpu.memory_space<hbm>> -> memref<40x64xi32, #tpu.memory_space<hbm>>
        tpu.enqueue_dma source(%dma_start3A_72 : memref<40x64xi32, #tpu.memory_space<hbm>>) target(%arg6 : memref<40x64xi32, #tpu.memory_space<vmem>>) target_semaphore(%run_scoped3A_50 : memref<!tpu.dma_semaphore, #tpu.memory_space<semaphore_mem>>)
        %dma_wait3A = arith.constant 0 : i32
        %dma_wait3A_73 = arith.constant 0 : i32
        %dma_wait3A_74 = arith.constant 0 : i32
        %dma_wait3A_75 = tpu.memref_slice %arg3[%run_scoped3A, %dma_wait3A, %dma_wait3A_73, %dma_wait3A_74] : memref<2x32x160x64xi32, #tpu.memory_space<hbm>> -> memref<1x32x160x64xi32, #tpu.memory_space<hbm>>
        %dma_wait3A_76 = tpu.memref_squeeze %dma_wait3A_75 : memref<1x32x160x64xi32, #tpu.memory_space<hbm>> -> memref<32x160x64xi32, #tpu.memory_space<hbm>>
        %dma_wait3A_77 = arith.constant 0 : i32
        %dma_wait3A_78 = arith.constant 0 : i32
        %dma_wait3A_79 = tpu.memref_slice %dma_wait3A_76[%add3A, %dma_wait3A_77, %dma_wait3A_78] : memref<32x160x64xi32, #tpu.memory_space<hbm>> -> memref<1x160x64xi32, #tpu.memory_space<hbm>>
        %dma_wait3A_80 = tpu.memref_squeeze %dma_wait3A_79 : memref<1x160x64xi32, #tpu.memory_space<hbm>> -> memref<160x64xi32, #tpu.memory_space<hbm>>
        %dma_wait3A_81 = arith.constant 0 : i32
        %dma_wait3A_82 = tpu.memref_slice %dma_wait3A_80[%mul3A_14, %dma_wait3A_81] : memref<160x64xi32, #tpu.memory_space<hbm>> -> memref<40x64xi32, #tpu.memory_space<hbm>>
        %dma_wait3A_83 = arith.constant 0 : i32
        %dma_wait3A_84 = arith.constant 0 : i32
        %dma_wait3A_85 = arith.constant 0 : i32
        %dma_wait3A_86 = tpu.memref_slice %arg3[%run_scoped3A, %dma_wait3A_83, %dma_wait3A_84, %dma_wait3A_85] : memref<2x32x160x64xi32, #tpu.memory_space<hbm>> -> memref<1x32x160x64xi32, #tpu.memory_space<hbm>>
        %dma_wait3A_87 = tpu.memref_squeeze %dma_wait3A_86 : memref<1x32x160x64xi32, #tpu.memory_space<hbm>> -> memref<32x160x64xi32, #tpu.memory_space<hbm>>
        %dma_wait3A_88 = arith.constant 0 : i32
        %dma_wait3A_89 = arith.constant 0 : i32
        %dma_wait3A_90 = tpu.memref_slice %dma_wait3A_87[%add3A, %dma_wait3A_88, %dma_wait3A_89] : memref<32x160x64xi32, #tpu.memory_space<hbm>> -> memref<1x160x64xi32, #tpu.memory_space<hbm>>
        %dma_wait3A_91 = tpu.memref_squeeze %dma_wait3A_90 : memref<1x160x64xi32, #tpu.memory_space<hbm>> -> memref<160x64xi32, #tpu.memory_space<hbm>>
        %dma_wait3A_92 = arith.constant 0 : i32
        %dma_wait3A_93 = tpu.memref_slice %dma_wait3A_91[%mul3A_14, %dma_wait3A_92] : memref<160x64xi32, #tpu.memory_space<hbm>> -> memref<40x64xi32, #tpu.memory_space<hbm>>
        tpu.wait_dma2 semaphore(%run_scoped3A_50 : memref<!tpu.dma_semaphore, #tpu.memory_space<semaphore_mem>>) src(%dma_wait3A_93 : memref<40x64xi32, #tpu.memory_space<hbm>>) dst(%arg6 : memref<40x64xi32, #tpu.memory_space<vmem>>)
        tpu.yield
      }) : () -> ()
      %mul3A_15 = arith.constant 40 : i32
      %mul3A_16 = arith.muli %add3A_12, %mul3A_15 : i32
      %run_scoped3A_17 = arith.constant 1 : i32
      "tpu.region"() ({
        %run_scoped3A_50 = tpu.sem_alloc : memref<!tpu.dma_semaphore, #tpu.memory_space<semaphore_mem>>
        %dma_start3A_51 = arith.constant 0 : i32
        %dma_start3A_52 = arith.constant 0 : i32
        %dma_start3A_53 = arith.constant 0 : i32
        %dma_start3A_54 = tpu.memref_slice %arg3[%run_scoped3A_17, %dma_start3A_51, %dma_start3A_52, %dma_start3A_53] : memref<2x32x160x64xi32, #tpu.memory_space<hbm>> -> memref<1x32x160x64xi32, #tpu.memory_space<hbm>>
        %dma_start3A_55 = tpu.memref_squeeze %dma_start3A_54 : memref<1x32x160x64xi32, #tpu.memory_space<hbm>> -> memref<32x160x64xi32, #tpu.memory_space<hbm>>
        %dma_start3A_56 = arith.constant 0 : i32
        %dma_start3A_57 = arith.constant 0 : i32
        %dma_start3A_58 = tpu.memref_slice %dma_start3A_55[%add3A, %dma_start3A_56, %dma_start3A_57] : memref<32x160x64xi32, #tpu.memory_space<hbm>> -> memref<1x160x64xi32, #tpu.memory_space<hbm>>
        %dma_start3A_59 = tpu.memref_squeeze %dma_start3A_58 : memref<1x160x64xi32, #tpu.memory_space<hbm>> -> memref<160x64xi32, #tpu.memory_space<hbm>>
        %dma_start3A_60 = arith.constant 0 : i32
        %dma_start3A_61 = tpu.memref_slice %dma_start3A_59[%mul3A_16, %dma_start3A_60] : memref<160x64xi32, #tpu.memory_space<hbm>> -> memref<40x64xi32, #tpu.memory_space<hbm>>
        %dma_start3A_62 = arith.constant 0 : i32
        %dma_start3A_63 = arith.constant 0 : i32
        %dma_start3A_64 = arith.constant 0 : i32
        %dma_start3A_65 = tpu.memref_slice %arg3[%run_scoped3A_17, %dma_start3A_62, %dma_start3A_63, %dma_start3A_64] : memref<2x32x160x64xi32, #tpu.memory_space<hbm>> -> memref<1x32x160x64xi32, #tpu.memory_space<hbm>>
        %dma_start3A_66 = tpu.memref_squeeze %dma_start3A_65 : memref<1x32x160x64xi32, #tpu.memory_space<hbm>> -> memref<32x160x64xi32, #tpu.memory_space<hbm>>
        %dma_start3A_67 = arith.constant 0 : i32
        %dma_start3A_68 = arith.constant 0 : i32
        %dma_start3A_69 = tpu.memref_slice %dma_start3A_66[%add3A, %dma_start3A_67, %dma_start3A_68] : memref<32x160x64xi32, #tpu.memory_space<hbm>> -> memref<1x160x64xi32, #tpu.memory_space<hbm>>
        %dma_start3A_70 = tpu.memref_squeeze %dma_start3A_69 : memref<1x160x64xi32, #tpu.memory_space<hbm>> -> memref<160x64xi32, #tpu.memory_space<hbm>>
        %dma_start3A_71 = arith.constant 0 : i32
        %dma_start3A_72 = tpu.memref_slice %dma_start3A_70[%mul3A_16, %dma_start3A_71] : memref<160x64xi32, #tpu.memory_space<hbm>> -> memref<40x64xi32, #tpu.memory_space<hbm>>
        tpu.enqueue_dma source(%dma_start3A_72 : memref<40x64xi32, #tpu.memory_space<hbm>>) target(%arg7 : memref<40x64xi32, #tpu.memory_space<vmem>>) target_semaphore(%run_scoped3A_50 : memref<!tpu.dma_semaphore, #tpu.memory_space<semaphore_mem>>)
        %dma_wait3A = arith.constant 0 : i32
        %dma_wait3A_73 = arith.constant 0 : i32
        %dma_wait3A_74 = arith.constant 0 : i32
        %dma_wait3A_75 = tpu.memref_slice %arg3[%run_scoped3A_17, %dma_wait3A, %dma_wait3A_73, %dma_wait3A_74] : memref<2x32x160x64xi32, #tpu.memory_space<hbm>> -> memref<1x32x160x64xi32, #tpu.memory_space<hbm>>
        %dma_wait3A_76 = tpu.memref_squeeze %dma_wait3A_75 : memref<1x32x160x64xi32, #tpu.memory_space<hbm>> -> memref<32x160x64xi32, #tpu.memory_space<hbm>>
        %dma_wait3A_77 = arith.constant 0 : i32
        %dma_wait3A_78 = arith.constant 0 : i32
        %dma_wait3A_79 = tpu.memref_slice %dma_wait3A_76[%add3A, %dma_wait3A_77, %dma_wait3A_78] : memref<32x160x64xi32, #tpu.memory_space<hbm>> -> memref<1x160x64xi32, #tpu.memory_space<hbm>>
        %dma_wait3A_80 = tpu.memref_squeeze %dma_wait3A_79 : memref<1x160x64xi32, #tpu.memory_space<hbm>> -> memref<160x64xi32, #tpu.memory_space<hbm>>
        %dma_wait3A_81 = arith.constant 0 : i32
        %dma_wait3A_82 = tpu.memref_slice %dma_wait3A_80[%mul3A_16, %dma_wait3A_81] : memref<160x64xi32, #tpu.memory_space<hbm>> -> memref<40x64xi32, #tpu.memory_space<hbm>>
        %dma_wait3A_83 = arith.constant 0 : i32
        %dma_wait3A_84 = arith.constant 0 : i32
        %dma_wait3A_85 = arith.constant 0 : i32
        %dma_wait3A_86 = tpu.memref_slice %arg3[%run_scoped3A_17, %dma_wait3A_83, %dma_wait3A_84, %dma_wait3A_85] : memref<2x32x160x64xi32, #tpu.memory_space<hbm>> -> memref<1x32x160x64xi32, #tpu.memory_space<hbm>>
        %dma_wait3A_87 = tpu.memref_squeeze %dma_wait3A_86 : memref<1x32x160x64xi32, #tpu.memory_space<hbm>> -> memref<32x160x64xi32, #tpu.memory_space<hbm>>
        %dma_wait3A_88 = arith.constant 0 : i32
        %dma_wait3A_89 = arith.constant 0 : i32
        %dma_wait3A_90 = tpu.memref_slice %dma_wait3A_87[%add3A, %dma_wait3A_88, %dma_wait3A_89] : memref<32x160x64xi32, #tpu.memory_space<hbm>> -> memref<1x160x64xi32, #tpu.memory_space<hbm>>
        %dma_wait3A_91 = tpu.memref_squeeze %dma_wait3A_90 : memref<1x160x64xi32, #tpu.memory_space<hbm>> -> memref<160x64xi32, #tpu.memory_space<hbm>>
        %dma_wait3A_92 = arith.constant 0 : i32
        %dma_wait3A_93 = tpu.memref_slice %dma_wait3A_91[%mul3A_16, %dma_wait3A_92] : memref<160x64xi32, #tpu.memory_space<hbm>> -> memref<40x64xi32, #tpu.memory_space<hbm>>
        tpu.wait_dma2 semaphore(%run_scoped3A_50 : memref<!tpu.dma_semaphore, #tpu.memory_space<semaphore_mem>>) src(%dma_wait3A_93 : memref<40x64xi32, #tpu.memory_space<hbm>>) dst(%arg7 : memref<40x64xi32, #tpu.memory_space<vmem>>)
        tpu.yield
      }) : () -> ()
      %dma_start3A = arith.constant 0 : i32
      %dma_start3A_18 = arith.constant 0 : i32
      %dma_start3A_19 = tpu.memref_slice %arg6[%dma_start3A, %dma_start3A_18] : memref<40x64xi32, #tpu.memory_space<vmem>> -> memref<1x64xi32, #tpu.memory_space<vmem>>
      %dma_start3A_20 = tpu.memref_squeeze %dma_start3A_19 : memref<1x64xi32, #tpu.memory_space<vmem>> -> memref<64xi32, #tpu.memory_space<vmem>>
      %dma_start3A_21 = arith.constant 0 : i32
      %dma_start3A_22 = arith.constant 0 : i32
      %dma_start3A_23 = tpu.memref_slice %arg2[%dma_start3A_21, %dma_start3A_22] : memref<10000x128xf32, #tpu.memory_space<hbm>> -> memref<10000x128xf32, #tpu.memory_space<hbm>>
      tpu.enqueue_indirect_dma source(%dma_start3A_23 : memref<10000x128xf32, #tpu.memory_space<hbm>>) target(%arg8 : memref<64x128xf32, #tpu.memory_space<vmem>>) offsets(%dma_start3A_20 : memref<64xi32, #tpu.memory_space<vmem>>) semaphore(%arg13 : memref<!tpu.dma_semaphore, #tpu.memory_space<semaphore_mem>>)
      %dma_start3A_24 = arith.constant 1 : i32
      %dma_start3A_25 = arith.constant 0 : i32
      %dma_start3A_26 = tpu.memref_slice %arg6[%dma_start3A_24, %dma_start3A_25] : memref<40x64xi32, #tpu.memory_space<vmem>> -> memref<1x64xi32, #tpu.memory_space<vmem>>
      %dma_start3A_27 = tpu.memref_squeeze %dma_start3A_26 : memref<1x64xi32, #tpu.memory_space<vmem>> -> memref<64xi32, #tpu.memory_space<vmem>>
      %dma_start3A_28 = arith.constant 0 : i32
      %dma_start3A_29 = arith.constant 0 : i32
      %dma_start3A_30 = tpu.memref_slice %arg2[%dma_start3A_28, %dma_start3A_29] : memref<10000x128xf32, #tpu.memory_space<hbm>> -> memref<10000x128xf32, #tpu.memory_space<hbm>>
      tpu.enqueue_indirect_dma source(%dma_start3A_30 : memref<10000x128xf32, #tpu.memory_space<hbm>>) target(%arg9 : memref<64x128xf32, #tpu.memory_space<vmem>>) offsets(%dma_start3A_27 : memref<64xi32, #tpu.memory_space<vmem>>) semaphore(%arg14 : memref<!tpu.dma_semaphore, #tpu.memory_space<semaphore_mem>>)
      %dma_start3A_31 = arith.constant 2 : i32
      %dma_start3A_32 = arith.constant 0 : i32
      %dma_start3A_33 = tpu.memref_slice %arg6[%dma_start3A_31, %dma_start3A_32] : memref<40x64xi32, #tpu.memory_space<vmem>> -> memref<1x64xi32, #tpu.memory_space<vmem>>
      %dma_start3A_34 = tpu.memref_squeeze %dma_start3A_33 : memref<1x64xi32, #tpu.memory_space<vmem>> -> memref<64xi32, #tpu.memory_space<vmem>>
      %dma_start3A_35 = arith.constant 0 : i32
      %dma_start3A_36 = arith.constant 0 : i32
      %dma_start3A_37 = tpu.memref_slice %arg2[%dma_start3A_35, %dma_start3A_36] : memref<10000x128xf32, #tpu.memory_space<hbm>> -> memref<10000x128xf32, #tpu.memory_space<hbm>>
      tpu.enqueue_indirect_dma source(%dma_start3A_37 : memref<10000x128xf32, #tpu.memory_space<hbm>>) target(%arg10 : memref<64x128xf32, #tpu.memory_space<vmem>>) offsets(%dma_start3A_34 : memref<64xi32, #tpu.memory_space<vmem>>) semaphore(%arg15 : memref<!tpu.dma_semaphore, #tpu.memory_space<semaphore_mem>>)
      %dma_start3A_38 = arith.constant 3 : i32
      %dma_start3A_39 = arith.constant 0 : i32
      %dma_start3A_40 = tpu.memref_slice %arg6[%dma_start3A_38, %dma_start3A_39] : memref<40x64xi32, #tpu.memory_space<vmem>> -> memref<1x64xi32, #tpu.memory_space<vmem>>
      %dma_start3A_41 = tpu.memref_squeeze %dma_start3A_40 : memref<1x64xi32, #tpu.memory_space<vmem>> -> memref<64xi32, #tpu.memory_space<vmem>>
      %dma_start3A_42 = arith.constant 0 : i32
      %dma_start3A_43 = arith.constant 0 : i32
      %dma_start3A_44 = tpu.memref_slice %arg2[%dma_start3A_42, %dma_start3A_43] : memref<10000x128xf32, #tpu.memory_space<hbm>> -> memref<10000x128xf32, #tpu.memory_space<hbm>>
      tpu.enqueue_indirect_dma source(%dma_start3A_44 : memref<10000x128xf32, #tpu.memory_space<hbm>>) target(%arg11 : memref<64x128xf32, #tpu.memory_space<vmem>>) offsets(%dma_start3A_41 : memref<64xi32, #tpu.memory_space<vmem>>) semaphore(%arg16 : memref<!tpu.dma_semaphore, #tpu.memory_space<semaphore_mem>>)
      %scan3A_45 = arith.constant 0 : i32
      %scan3A_46 = arith.constant 10 : i32
      %scan3A_47 = arith.addi %scan3A_45, %scan3A_46 : i32
      %scan3A_48 = arith.constant 1 : i32
      scf.for %scan3A_50 = %scan3A_45 to %scan3A_47 step %scan3A_48  : i32 {
        %mul3A_51 = arith.constant 4 : i32
        %mul3A_52 = arith.muli %scan3A_50, %mul3A_51 : i32
        %add3A_53 = arith.constant 0 : i32
        %add3A_54 = arith.addi %add3A_53, %mul3A_52 : i32
        %add3A_55 = arith.constant 0 : i32
        %add3A_56 = arith.addi %add3A_54, %add3A_55 : i32
        %dma_wait3A = arith.constant 0 : i32
        %dma_wait3A_57 = tpu.memref_slice %arg6[%add3A_56, %dma_wait3A] : memref<40x64xi32, #tpu.memory_space<vmem>> -> memref<1x64xi32, #tpu.memory_space<vmem>>
        %dma_wait3A_58 = tpu.memref_squeeze %dma_wait3A_57 : memref<1x64xi32, #tpu.memory_space<vmem>> -> memref<64xi32, #tpu.memory_space<vmem>>
        %dma_wait3A_59 = arith.constant 0 : i32
        %dma_wait3A_60 = arith.constant 0 : i32
        %dma_wait3A_61 = tpu.memref_slice %arg2[%dma_wait3A_59, %dma_wait3A_60] : memref<10000x128xf32, #tpu.memory_space<hbm>> -> memref<10000x128xf32, #tpu.memory_space<hbm>>
        tpu.wait_indirect_dma semaphore(%arg13 : memref<!tpu.dma_semaphore, #tpu.memory_space<semaphore_mem>>) src(%dma_wait3A_61 : memref<10000x128xf32, #tpu.memory_space<hbm>>) dst(%arg8 : memref<64x128xf32, #tpu.memory_space<vmem>>)
        %add3A_62 = arith.constant 0 : i32
        %add3A_63 = arith.addi %add3A_54, %add3A_62 : i32
        "tpu.region"() ({
          %run_scoped3A_127 = tpu.sem_alloc : memref<!tpu.dma_semaphore, #tpu.memory_space<semaphore_mem>>
          %dma_start3A_128 = arith.constant 0 : i32
          %dma_start3A_129 = tpu.memref_slice %arg7[%add3A_63, %dma_start3A_128] : memref<40x64xi32, #tpu.memory_space<vmem>> -> memref<1x64xi32, #tpu.memory_space<vmem>>
          %dma_start3A_130 = tpu.memref_squeeze %dma_start3A_129 : memref<1x64xi32, #tpu.memory_space<vmem>> -> memref<64xi32, #tpu.memory_space<vmem>>
          %dma_start3A_131 = arith.constant 0 : i32
          %dma_start3A_132 = arith.constant 0 : i32
          %dma_start3A_133 = tpu.memref_slice %arg12[%dma_start3A_131, %dma_start3A_132] : memref<10112x128xf32, #tpu.memory_space<vmem_shared>> -> memref<10112x128xf32, #tpu.memory_space<vmem_shared>>
          tpu.enqueue_indirect_dma source(%arg8 : memref<64x128xf32, #tpu.memory_space<vmem>>) target(%dma_start3A_133 : memref<10112x128xf32, #tpu.memory_space<vmem_shared>>) offsets(%dma_start3A_130 : memref<64xi32, #tpu.memory_space<vmem>>) semaphore(%run_scoped3A_127 : memref<!tpu.dma_semaphore, #tpu.memory_space<semaphore_mem>>) {add = true}
          %dma_wait3A_134 = arith.constant 0 : i32
          %dma_wait3A_135 = tpu.memref_slice %arg7[%add3A_63, %dma_wait3A_134] : memref<40x64xi32, #tpu.memory_space<vmem>> -> memref<1x64xi32, #tpu.memory_space<vmem>>
          %dma_wait3A_136 = tpu.memref_squeeze %dma_wait3A_135 : memref<1x64xi32, #tpu.memory_space<vmem>> -> memref<64xi32, #tpu.memory_space<vmem>>
          %dma_wait3A_137 = arith.constant 0 : i32
          %dma_wait3A_138 = arith.constant 0 : i32
          %dma_wait3A_139 = tpu.memref_slice %arg12[%dma_wait3A_137, %dma_wait3A_138] : memref<10112x128xf32, #tpu.memory_space<vmem_shared>> -> memref<10112x128xf32, #tpu.memory_space<vmem_shared>>
          tpu.wait_indirect_dma semaphore(%run_scoped3A_127 : memref<!tpu.dma_semaphore, #tpu.memory_space<semaphore_mem>>) src(%arg8 : memref<64x128xf32, #tpu.memory_space<vmem>>) dst(%dma_wait3A_139 : memref<10112x128xf32, #tpu.memory_space<vmem_shared>>)
          tpu.yield
        }) : () -> ()
        %add3A_64 = arith.constant 0 : i32
        %add3A_65 = arith.addi %add3A_54, %add3A_64 : i32
        %add3A_66 = arith.constant 4 : i32
        %add3A_67 = arith.addi %add3A_65, %add3A_66 : i32
        %lt3A = arith.constant 40 : i32
        %lt3A_68 = arith.cmpi slt, %add3A_67, %lt3A : i32
        %convert_element_type3A = arith.extui %lt3A_68 : i1 to i32
        %cond3A = arith.constant 0 : i32
        %cond3A_69 = arith.cmpi ne, %convert_element_type3A, %cond3A : i32
        scf.if %cond3A_69 {
          %add3A_127 = arith.constant 0 : i32
          %add3A_128 = arith.addi %add3A_54, %add3A_127 : i32
          %add3A_129 = arith.constant 4 : i32
          %add3A_130 = arith.addi %add3A_128, %add3A_129 : i32
          %dma_start3A_131 = arith.constant 0 : i32
          %dma_start3A_132 = tpu.memref_slice %arg6[%add3A_130, %dma_start3A_131] : memref<40x64xi32, #tpu.memory_space<vmem>> -> memref<1x64xi32, #tpu.memory_space<vmem>>
          %dma_start3A_133 = tpu.memref_squeeze %dma_start3A_132 : memref<1x64xi32, #tpu.memory_space<vmem>> -> memref<64xi32, #tpu.memory_space<vmem>>
          %dma_start3A_134 = arith.constant 0 : i32
          %dma_start3A_135 = arith.constant 0 : i32
          %dma_start3A_136 = tpu.memref_slice %arg2[%dma_start3A_134, %dma_start3A_135] : memref<10000x128xf32, #tpu.memory_space<hbm>> -> memref<10000x128xf32, #tpu.memory_space<hbm>>
          tpu.enqueue_indirect_dma source(%dma_start3A_136 : memref<10000x128xf32, #tpu.memory_space<hbm>>) target(%arg8 : memref<64x128xf32, #tpu.memory_space<vmem>>) offsets(%dma_start3A_133 : memref<64xi32, #tpu.memory_space<vmem>>) semaphore(%arg13 : memref<!tpu.dma_semaphore, #tpu.memory_space<semaphore_mem>>)
        } else {
        }
        %add3A_70 = arith.constant 1 : i32
        %add3A_71 = arith.addi %add3A_54, %add3A_70 : i32
        %dma_wait3A_72 = arith.constant 0 : i32
        %dma_wait3A_73 = tpu.memref_slice %arg6[%add3A_71, %dma_wait3A_72] : memref<40x64xi32, #tpu.memory_space<vmem>> -> memref<1x64xi32, #tpu.memory_space<vmem>>
        %dma_wait3A_74 = tpu.memref_squeeze %dma_wait3A_73 : memref<1x64xi32, #tpu.memory_space<vmem>> -> memref<64xi32, #tpu.memory_space<vmem>>
        %dma_wait3A_75 = arith.constant 0 : i32
        %dma_wait3A_76 = arith.constant 0 : i32
        %dma_wait3A_77 = tpu.memref_slice %arg2[%dma_wait3A_75, %dma_wait3A_76] : memref<10000x128xf32, #tpu.memory_space<hbm>> -> memref<10000x128xf32, #tpu.memory_space<hbm>>
        tpu.wait_indirect_dma semaphore(%arg14 : memref<!tpu.dma_semaphore, #tpu.memory_space<semaphore_mem>>) src(%dma_wait3A_77 : memref<10000x128xf32, #tpu.memory_space<hbm>>) dst(%arg9 : memref<64x128xf32, #tpu.memory_space<vmem>>)
        %add3A_78 = arith.constant 1 : i32
        %add3A_79 = arith.addi %add3A_54, %add3A_78 : i32
        "tpu.region"() ({
          %run_scoped3A_127 = tpu.sem_alloc : memref<!tpu.dma_semaphore, #tpu.memory_space<semaphore_mem>>
          %dma_start3A_128 = arith.constant 0 : i32
          %dma_start3A_129 = tpu.memref_slice %arg7[%add3A_79, %dma_start3A_128] : memref<40x64xi32, #tpu.memory_space<vmem>> -> memref<1x64xi32, #tpu.memory_space<vmem>>
          %dma_start3A_130 = tpu.memref_squeeze %dma_start3A_129 : memref<1x64xi32, #tpu.memory_space<vmem>> -> memref<64xi32, #tpu.memory_space<vmem>>
          %dma_start3A_131 = arith.constant 0 : i32
          %dma_start3A_132 = arith.constant 0 : i32
          %dma_start3A_133 = tpu.memref_slice %arg12[%dma_start3A_131, %dma_start3A_132] : memref<10112x128xf32, #tpu.memory_space<vmem_shared>> -> memref<10112x128xf32, #tpu.memory_space<vmem_shared>>
          tpu.enqueue_indirect_dma source(%arg9 : memref<64x128xf32, #tpu.memory_space<vmem>>) target(%dma_start3A_133 : memref<10112x128xf32, #tpu.memory_space<vmem_shared>>) offsets(%dma_start3A_130 : memref<64xi32, #tpu.memory_space<vmem>>) semaphore(%run_scoped3A_127 : memref<!tpu.dma_semaphore, #tpu.memory_space<semaphore_mem>>) {add = true}
          %dma_wait3A_134 = arith.constant 0 : i32
          %dma_wait3A_135 = tpu.memref_slice %arg7[%add3A_79, %dma_wait3A_134] : memref<40x64xi32, #tpu.memory_space<vmem>> -> memref<1x64xi32, #tpu.memory_space<vmem>>
          %dma_wait3A_136 = tpu.memref_squeeze %dma_wait3A_135 : memref<1x64xi32, #tpu.memory_space<vmem>> -> memref<64xi32, #tpu.memory_space<vmem>>
          %dma_wait3A_137 = arith.constant 0 : i32
          %dma_wait3A_138 = arith.constant 0 : i32
          %dma_wait3A_139 = tpu.memref_slice %arg12[%dma_wait3A_137, %dma_wait3A_138] : memref<10112x128xf32, #tpu.memory_space<vmem_shared>> -> memref<10112x128xf32, #tpu.memory_space<vmem_shared>>
          tpu.wait_indirect_dma semaphore(%run_scoped3A_127 : memref<!tpu.dma_semaphore, #tpu.memory_space<semaphore_mem>>) src(%arg9 : memref<64x128xf32, #tpu.memory_space<vmem>>) dst(%dma_wait3A_139 : memref<10112x128xf32, #tpu.memory_space<vmem_shared>>)
          tpu.yield
        }) : () -> ()
        %add3A_80 = arith.constant 1 : i32
        %add3A_81 = arith.addi %add3A_54, %add3A_80 : i32
        %add3A_82 = arith.constant 4 : i32
        %add3A_83 = arith.addi %add3A_81, %add3A_82 : i32
        %lt3A_84 = arith.constant 40 : i32
        %lt3A_85 = arith.cmpi slt, %add3A_83, %lt3A_84 : i32
        %convert_element_type3A_86 = arith.extui %lt3A_85 : i1 to i32
        %cond3A_87 = arith.constant 0 : i32
        %cond3A_88 = arith.cmpi ne, %convert_element_type3A_86, %cond3A_87 : i32
        scf.if %cond3A_88 {
          %add3A_127 = arith.constant 1 : i32
          %add3A_128 = arith.addi %add3A_54, %add3A_127 : i32
          %add3A_129 = arith.constant 4 : i32
          %add3A_130 = arith.addi %add3A_128, %add3A_129 : i32
          %dma_start3A_131 = arith.constant 0 : i32
          %dma_start3A_132 = tpu.memref_slice %arg6[%add3A_130, %dma_start3A_131] : memref<40x64xi32, #tpu.memory_space<vmem>> -> memref<1x64xi32, #tpu.memory_space<vmem>>
          %dma_start3A_133 = tpu.memref_squeeze %dma_start3A_132 : memref<1x64xi32, #tpu.memory_space<vmem>> -> memref<64xi32, #tpu.memory_space<vmem>>
          %dma_start3A_134 = arith.constant 0 : i32
          %dma_start3A_135 = arith.constant 0 : i32
          %dma_start3A_136 = tpu.memref_slice %arg2[%dma_start3A_134, %dma_start3A_135] : memref<10000x128xf32, #tpu.memory_space<hbm>> -> memref<10000x128xf32, #tpu.memory_space<hbm>>
          tpu.enqueue_indirect_dma source(%dma_start3A_136 : memref<10000x128xf32, #tpu.memory_space<hbm>>) target(%arg9 : memref<64x128xf32, #tpu.memory_space<vmem>>) offsets(%dma_start3A_133 : memref<64xi32, #tpu.memory_space<vmem>>) semaphore(%arg14 : memref<!tpu.dma_semaphore, #tpu.memory_space<semaphore_mem>>)
        } else {
        }
        %add3A_89 = arith.constant 2 : i32
        %add3A_90 = arith.addi %add3A_54, %add3A_89 : i32
        %dma_wait3A_91 = arith.constant 0 : i32
        %dma_wait3A_92 = tpu.memref_slice %arg6[%add3A_90, %dma_wait3A_91] : memref<40x64xi32, #tpu.memory_space<vmem>> -> memref<1x64xi32, #tpu.memory_space<vmem>>
        %dma_wait3A_93 = tpu.memref_squeeze %dma_wait3A_92 : memref<1x64xi32, #tpu.memory_space<vmem>> -> memref<64xi32, #tpu.memory_space<vmem>>
        %dma_wait3A_94 = arith.constant 0 : i32
        %dma_wait3A_95 = arith.constant 0 : i32
        %dma_wait3A_96 = tpu.memref_slice %arg2[%dma_wait3A_94, %dma_wait3A_95] : memref<10000x128xf32, #tpu.memory_space<hbm>> -> memref<10000x128xf32, #tpu.memory_space<hbm>>
        tpu.wait_indirect_dma semaphore(%arg15 : memref<!tpu.dma_semaphore, #tpu.memory_space<semaphore_mem>>) src(%dma_wait3A_96 : memref<10000x128xf32, #tpu.memory_space<hbm>>) dst(%arg10 : memref<64x128xf32, #tpu.memory_space<vmem>>)
        %add3A_97 = arith.constant 2 : i32
        %add3A_98 = arith.addi %add3A_54, %add3A_97 : i32
        "tpu.region"() ({
          %run_scoped3A_127 = tpu.sem_alloc : memref<!tpu.dma_semaphore, #tpu.memory_space<semaphore_mem>>
          %dma_start3A_128 = arith.constant 0 : i32
          %dma_start3A_129 = tpu.memref_slice %arg7[%add3A_98, %dma_start3A_128] : memref<40x64xi32, #tpu.memory_space<vmem>> -> memref<1x64xi32, #tpu.memory_space<vmem>>
          %dma_start3A_130 = tpu.memref_squeeze %dma_start3A_129 : memref<1x64xi32, #tpu.memory_space<vmem>> -> memref<64xi32, #tpu.memory_space<vmem>>
          %dma_start3A_131 = arith.constant 0 : i32
          %dma_start3A_132 = arith.constant 0 : i32
          %dma_start3A_133 = tpu.memref_slice %arg12[%dma_start3A_131, %dma_start3A_132] : memref<10112x128xf32, #tpu.memory_space<vmem_shared>> -> memref<10112x128xf32, #tpu.memory_space<vmem_shared>>
          tpu.enqueue_indirect_dma source(%arg10 : memref<64x128xf32, #tpu.memory_space<vmem>>) target(%dma_start3A_133 : memref<10112x128xf32, #tpu.memory_space<vmem_shared>>) offsets(%dma_start3A_130 : memref<64xi32, #tpu.memory_space<vmem>>) semaphore(%run_scoped3A_127 : memref<!tpu.dma_semaphore, #tpu.memory_space<semaphore_mem>>) {add = true}
          %dma_wait3A_134 = arith.constant 0 : i32
          %dma_wait3A_135 = tpu.memref_slice %arg7[%add3A_98, %dma_wait3A_134] : memref<40x64xi32, #tpu.memory_space<vmem>> -> memref<1x64xi32, #tpu.memory_space<vmem>>
          %dma_wait3A_136 = tpu.memref_squeeze %dma_wait3A_135 : memref<1x64xi32, #tpu.memory_space<vmem>> -> memref<64xi32, #tpu.memory_space<vmem>>
          %dma_wait3A_137 = arith.constant 0 : i32
          %dma_wait3A_138 = arith.constant 0 : i32
          %dma_wait3A_139 = tpu.memref_slice %arg12[%dma_wait3A_137, %dma_wait3A_138] : memref<10112x128xf32, #tpu.memory_space<vmem_shared>> -> memref<10112x128xf32, #tpu.memory_space<vmem_shared>>
          tpu.wait_indirect_dma semaphore(%run_scoped3A_127 : memref<!tpu.dma_semaphore, #tpu.memory_space<semaphore_mem>>) src(%arg10 : memref<64x128xf32, #tpu.memory_space<vmem>>) dst(%dma_wait3A_139 : memref<10112x128xf32, #tpu.memory_space<vmem_shared>>)
          tpu.yield
        }) : () -> ()
        %add3A_99 = arith.constant 2 : i32
        %add3A_100 = arith.addi %add3A_54, %add3A_99 : i32
        %add3A_101 = arith.constant 4 : i32
        %add3A_102 = arith.addi %add3A_100, %add3A_101 : i32
        %lt3A_103 = arith.constant 40 : i32
        %lt3A_104 = arith.cmpi slt, %add3A_102, %lt3A_103 : i32
        %convert_element_type3A_105 = arith.extui %lt3A_104 : i1 to i32
        %cond3A_106 = arith.constant 0 : i32
        %cond3A_107 = arith.cmpi ne, %convert_element_type3A_105, %cond3A_106 : i32
        scf.if %cond3A_107 {
          %add3A_127 = arith.constant 2 : i32
          %add3A_128 = arith.addi %add3A_54, %add3A_127 : i32
          %add3A_129 = arith.constant 4 : i32
          %add3A_130 = arith.addi %add3A_128, %add3A_129 : i32
          %dma_start3A_131 = arith.constant 0 : i32
          %dma_start3A_132 = tpu.memref_slice %arg6[%add3A_130, %dma_start3A_131] : memref<40x64xi32, #tpu.memory_space<vmem>> -> memref<1x64xi32, #tpu.memory_space<vmem>>
          %dma_start3A_133 = tpu.memref_squeeze %dma_start3A_132 : memref<1x64xi32, #tpu.memory_space<vmem>> -> memref<64xi32, #tpu.memory_space<vmem>>
          %dma_start3A_134 = arith.constant 0 : i32
          %dma_start3A_135 = arith.constant 0 : i32
          %dma_start3A_136 = tpu.memref_slice %arg2[%dma_start3A_134, %dma_start3A_135] : memref<10000x128xf32, #tpu.memory_space<hbm>> -> memref<10000x128xf32, #tpu.memory_space<hbm>>
          tpu.enqueue_indirect_dma source(%dma_start3A_136 : memref<10000x128xf32, #tpu.memory_space<hbm>>) target(%arg10 : memref<64x128xf32, #tpu.memory_space<vmem>>) offsets(%dma_start3A_133 : memref<64xi32, #tpu.memory_space<vmem>>) semaphore(%arg15 : memref<!tpu.dma_semaphore, #tpu.memory_space<semaphore_mem>>)
        } else {
        }
        %add3A_108 = arith.constant 3 : i32
        %add3A_109 = arith.addi %add3A_54, %add3A_108 : i32
        %dma_wait3A_110 = arith.constant 0 : i32
        %dma_wait3A_111 = tpu.memref_slice %arg6[%add3A_109, %dma_wait3A_110] : memref<40x64xi32, #tpu.memory_space<vmem>> -> memref<1x64xi32, #tpu.memory_space<vmem>>
        %dma_wait3A_112 = tpu.memref_squeeze %dma_wait3A_111 : memref<1x64xi32, #tpu.memory_space<vmem>> -> memref<64xi32, #tpu.memory_space<vmem>>
        %dma_wait3A_113 = arith.constant 0 : i32
        %dma_wait3A_114 = arith.constant 0 : i32
        %dma_wait3A_115 = tpu.memref_slice %arg2[%dma_wait3A_113, %dma_wait3A_114] : memref<10000x128xf32, #tpu.memory_space<hbm>> -> memref<10000x128xf32, #tpu.memory_space<hbm>>
        tpu.wait_indirect_dma semaphore(%arg16 : memref<!tpu.dma_semaphore, #tpu.memory_space<semaphore_mem>>) src(%dma_wait3A_115 : memref<10000x128xf32, #tpu.memory_space<hbm>>) dst(%arg11 : memref<64x128xf32, #tpu.memory_space<vmem>>)
        %add3A_116 = arith.constant 3 : i32
        %add3A_117 = arith.addi %add3A_54, %add3A_116 : i32
        "tpu.region"() ({
          %run_scoped3A_127 = tpu.sem_alloc : memref<!tpu.dma_semaphore, #tpu.memory_space<semaphore_mem>>
          %dma_start3A_128 = arith.constant 0 : i32
          %dma_start3A_129 = tpu.memref_slice %arg7[%add3A_117, %dma_start3A_128] : memref<40x64xi32, #tpu.memory_space<vmem>> -> memref<1x64xi32, #tpu.memory_space<vmem>>
          %dma_start3A_130 = tpu.memref_squeeze %dma_start3A_129 : memref<1x64xi32, #tpu.memory_space<vmem>> -> memref<64xi32, #tpu.memory_space<vmem>>
          %dma_start3A_131 = arith.constant 0 : i32
          %dma_start3A_132 = arith.constant 0 : i32
          %dma_start3A_133 = tpu.memref_slice %arg12[%dma_start3A_131, %dma_start3A_132] : memref<10112x128xf32, #tpu.memory_space<vmem_shared>> -> memref<10112x128xf32, #tpu.memory_space<vmem_shared>>
          tpu.enqueue_indirect_dma source(%arg11 : memref<64x128xf32, #tpu.memory_space<vmem>>) target(%dma_start3A_133 : memref<10112x128xf32, #tpu.memory_space<vmem_shared>>) offsets(%dma_start3A_130 : memref<64xi32, #tpu.memory_space<vmem>>) semaphore(%run_scoped3A_127 : memref<!tpu.dma_semaphore, #tpu.memory_space<semaphore_mem>>) {add = true}
          %dma_wait3A_134 = arith.constant 0 : i32
          %dma_wait3A_135 = tpu.memref_slice %arg7[%add3A_117, %dma_wait3A_134] : memref<40x64xi32, #tpu.memory_space<vmem>> -> memref<1x64xi32, #tpu.memory_space<vmem>>
          %dma_wait3A_136 = tpu.memref_squeeze %dma_wait3A_135 : memref<1x64xi32, #tpu.memory_space<vmem>> -> memref<64xi32, #tpu.memory_space<vmem>>
          %dma_wait3A_137 = arith.constant 0 : i32
          %dma_wait3A_138 = arith.constant 0 : i32
          %dma_wait3A_139 = tpu.memref_slice %arg12[%dma_wait3A_137, %dma_wait3A_138] : memref<10112x128xf32, #tpu.memory_space<vmem_shared>> -> memref<10112x128xf32, #tpu.memory_space<vmem_shared>>
          tpu.wait_indirect_dma semaphore(%run_scoped3A_127 : memref<!tpu.dma_semaphore, #tpu.memory_space<semaphore_mem>>) src(%arg11 : memref<64x128xf32, #tpu.memory_space<vmem>>) dst(%dma_wait3A_139 : memref<10112x128xf32, #tpu.memory_space<vmem_shared>>)
          tpu.yield
        }) : () -> ()
        %add3A_118 = arith.constant 3 : i32
        %add3A_119 = arith.addi %add3A_54, %add3A_118 : i32
        %add3A_120 = arith.constant 4 : i32
        %add3A_121 = arith.addi %add3A_119, %add3A_120 : i32
        %lt3A_122 = arith.constant 40 : i32
        %lt3A_123 = arith.cmpi slt, %add3A_121, %lt3A_122 : i32
        %convert_element_type3A_124 = arith.extui %lt3A_123 : i1 to i32
        %cond3A_125 = arith.constant 0 : i32
        %cond3A_126 = arith.cmpi ne, %convert_element_type3A_124, %cond3A_125 : i32
        scf.if %cond3A_126 {
          %add3A_127 = arith.constant 3 : i32
          %add3A_128 = arith.addi %add3A_54, %add3A_127 : i32
          %add3A_129 = arith.constant 4 : i32
          %add3A_130 = arith.addi %add3A_128, %add3A_129 : i32
          %dma_start3A_131 = arith.constant 0 : i32
          %dma_start3A_132 = tpu.memref_slice %arg6[%add3A_130, %dma_start3A_131] : memref<40x64xi32, #tpu.memory_space<vmem>> -> memref<1x64xi32, #tpu.memory_space<vmem>>
          %dma_start3A_133 = tpu.memref_squeeze %dma_start3A_132 : memref<1x64xi32, #tpu.memory_space<vmem>> -> memref<64xi32, #tpu.memory_space<vmem>>
          %dma_start3A_134 = arith.constant 0 : i32
          %dma_start3A_135 = arith.constant 0 : i32
          %dma_start3A_136 = tpu.memref_slice %arg2[%dma_start3A_134, %dma_start3A_135] : memref<10000x128xf32, #tpu.memory_space<hbm>> -> memref<10000x128xf32, #tpu.memory_space<hbm>>
          tpu.enqueue_indirect_dma source(%dma_start3A_136 : memref<10000x128xf32, #tpu.memory_space<hbm>>) target(%arg11 : memref<64x128xf32, #tpu.memory_space<vmem>>) offsets(%dma_start3A_133 : memref<64xi32, #tpu.memory_space<vmem>>) semaphore(%arg16 : memref<!tpu.dma_semaphore, #tpu.memory_space<semaphore_mem>>)
        } else {
        }
      }
      %scan3A_49 = arith.constant 10 : i32
    }
    %scan3A_6 = arith.constant 4 : i32
    %barrier3A_7 = arith.constant 0 : index
    tpu.barrier barrier_id(%barrier3A_7)
    "tpu.region"() ({
      %run_scoped3A = tpu.sem_alloc : memref<!tpu.dma_semaphore, #tpu.memory_space<semaphore_mem>>
      %dma_start3A = arith.constant 0 : i32
      %dma_start3A_8 = arith.constant 0 : i32
      %dma_start3A_9 = tpu.memref_slice %arg5[%arg0, %dma_start3A, %dma_start3A_8] : memref<2x10112x128xf32, #tpu.memory_space<hbm>> -> memref<1x10112x128xf32, #tpu.memory_space<hbm>>
      %dma_start3A_10 = tpu.memref_squeeze %dma_start3A_9 : memref<1x10112x128xf32, #tpu.memory_space<hbm>> -> memref<10112x128xf32, #tpu.memory_space<hbm>>
      %dma_start3A_11 = arith.constant 0 : i32
      %dma_start3A_12 = tpu.memref_slice %dma_start3A_10[%mul3A_2, %dma_start3A_11] : memref<10112x128xf32, #tpu.memory_space<hbm>> -> memref<632x128xf32, #tpu.memory_space<hbm>>
      %dma_start3A_13 = arith.constant 0 : i32
      %dma_start3A_14 = tpu.memref_slice %arg12[%mul3A_2, %dma_start3A_13] : memref<10112x128xf32, #tpu.memory_space<vmem_shared>> -> memref<632x128xf32, #tpu.memory_space<vmem_shared>>
      tpu.enqueue_dma source(%dma_start3A_14 : memref<632x128xf32, #tpu.memory_space<vmem_shared>>) target(%dma_start3A_12 : memref<632x128xf32, #tpu.memory_space<hbm>>) target_semaphore(%run_scoped3A : memref<!tpu.dma_semaphore, #tpu.memory_space<semaphore_mem>>)
      %dma_wait3A = arith.constant 0 : i32
      %dma_wait3A_15 = arith.constant 0 : i32
      %dma_wait3A_16 = tpu.memref_slice %arg5[%arg0, %dma_wait3A, %dma_wait3A_15] : memref<2x10112x128xf32, #tpu.memory_space<hbm>> -> memref<1x10112x128xf32, #tpu.memory_space<hbm>>
      %dma_wait3A_17 = tpu.memref_squeeze %dma_wait3A_16 : memref<1x10112x128xf32, #tpu.memory_space<hbm>> -> memref<10112x128xf32, #tpu.memory_space<hbm>>
      %dma_wait3A_18 = arith.constant 0 : i32
      %dma_wait3A_19 = tpu.memref_slice %dma_wait3A_17[%mul3A_2, %dma_wait3A_18] : memref<10112x128xf32, #tpu.memory_space<hbm>> -> memref<632x128xf32, #tpu.memory_space<hbm>>
      %dma_wait3A_20 = arith.constant 0 : i32
      %dma_wait3A_21 = tpu.memref_slice %arg12[%mul3A_2, %dma_wait3A_20] : memref<10112x128xf32, #tpu.memory_space<vmem_shared>> -> memref<632x128xf32, #tpu.memory_space<vmem_shared>>
      tpu.wait_dma2 semaphore(%run_scoped3A : memref<!tpu.dma_semaphore, #tpu.memory_space<semaphore_mem>>) src(%dma_wait3A_21 : memref<632x128xf32, #tpu.memory_space<vmem_shared>>) dst(%dma_wait3A_19 : memref<632x128xf32, #tpu.memory_space<hbm>>)
      tpu.yield
    }) : () -> ()
    return
  }
}

#map = affine_map<(d0, d1) -> (0, 0)>
#map1 = affine_map<(d0, d1) -> (0, 0, 0, 0)>
#map2 = affine_map<(d0, d1) -> (0, 0, 0)>
module attributes {stable_mosaic.version = 14 : i64} {
  func.func @segsum(%arg0: i32, %arg1: i32, %arg2: memref<10000x128xf32, #tpu.memory_space<hbm>>, %arg3: memref<2x32x160x64xi32, #tpu.memory_space<hbm>>, %arg4: memref<632x128xf32, #tpu.memory_space<hbm>>, %arg5: memref<2x10112x128xf32, #tpu.memory_space<hbm>>, %arg6: memref<40x64xi32, #tpu.memory_space<vmem>>, %arg7: memref<40x64xi32, #tpu.memory_space<vmem>>, %arg8: memref<64x128xf32, #tpu.memory_space<vmem>>, %arg9: memref<64x128xf32, #tpu.memory_space<vmem>>, %arg10: memref<64x128xf32, #tpu.memory_space<vmem>>, %arg11: memref<64x128xf32, #tpu.memory_space<vmem>>, %arg12: memref<10112x128xf32, #tpu.memory_space<vmem_shared>>, %arg13: memref<!tpu.dma_semaphore, #tpu.memory_space<semaphore_mem>>, %arg14: memref<!tpu.dma_semaphore, #tpu.memory_space<semaphore_mem>>, %arg15: memref<!tpu.dma_semaphore, #tpu.memory_space<semaphore_mem>>, %arg16: memref<!tpu.dma_semaphore, #tpu.memory_space<semaphore_mem>>) attributes {dimension_semantics = [#tpu.dimension_semantics<core_parallel>, #tpu.dimension_semantics<subcore_parallel>], iteration_bounds = array<i64: 2, 16>, scalar_prefetch = 0 : i64, scratch_operands = 11 : i64, tpu.core_type = #tpu.core_type<sc_vector_subcore>, window_params = [{transform_indices = #map}, {transform_indices = #map1}, {transform_indices = #map}, {transform_indices = #map2}]} {
    %mul3A = arith.constant 2 : i32
    %mul3A_0 = arith.muli %arg1, %mul3A : i32
    %add3A = arith.addi %mul3A_0, %arg0 : i32
    %mul3A_1 = arith.constant 632 : i32
    %mul3A_2 = arith.muli %arg1, %mul3A_1 : i32
    "tpu.region"() ({
      %run_scoped3A = tpu.sem_alloc : memref<!tpu.dma_semaphore, #tpu.memory_space<semaphore_mem>>
      %dma_start3A = arith.constant 0 : i32
      %dma_start3A_8 = tpu.memref_slice %arg12[%mul3A_2, %dma_start3A] : memref<10112x128xf32, #tpu.memory_space<vmem_shared>> -> memref<632x128xf32, #tpu.memory_space<vmem_shared>>
      tpu.enqueue_dma source(%arg4 : memref<632x128xf32, #tpu.memory_space<hbm>>) target(%dma_start3A_8 : memref<632x128xf32, #tpu.memory_space<vmem_shared>>) target_semaphore(%run_scoped3A : memref<!tpu.dma_semaphore, #tpu.memory_space<semaphore_mem>>)
      %dma_wait3A = arith.constant 0 : i32
      %dma_wait3A_9 = tpu.memref_slice %arg12[%mul3A_2, %dma_wait3A] : memref<10112x128xf32, #tpu.memory_space<vmem_shared>> -> memref<632x128xf32, #tpu.memory_space<vmem_shared>>
      tpu.wait_dma2 semaphore(%run_scoped3A : memref<!tpu.dma_semaphore, #tpu.memory_space<semaphore_mem>>) src(%arg4 : memref<632x128xf32, #tpu.memory_space<hbm>>) dst(%dma_wait3A_9 : memref<632x128xf32, #tpu.memory_space<vmem_shared>>)
      tpu.yield
    }) : () -> ()
    %barrier3A = arith.constant 0 : index
    tpu.barrier barrier_id(%barrier3A)
    %scan3A = arith.constant 0 : i32
    %scan3A_3 = arith.constant 4 : i32
    %scan3A_4 = arith.addi %scan3A, %scan3A_3 : i32
    %scan3A_5 = arith.constant 1 : i32
    scf.for %scan3A_8 = %scan3A to %scan3A_4 step %scan3A_5  : i32 {
      %mul3A_9 = arith.constant 1 : i32
      %mul3A_10 = arith.muli %scan3A_8, %mul3A_9 : i32
      %add3A_11 = arith.constant 0 : i32
      %add3A_12 = arith.addi %add3A_11, %mul3A_10 : i32
      %mul3A_13 = arith.constant 40 : i32
      %mul3A_14 = arith.muli %add3A_12, %mul3A_13 : i32
      %run_scoped3A = arith.constant 0 : i32
      "tpu.region"() ({
        %run_scoped3A_50 = tpu.sem_alloc : memref<!tpu.dma_semaphore, #tpu.memory_space<semaphore_mem>>
        %dma_start3A_51 = arith.constant 0 : i32
        %dma_start3A_52 = arith.constant 0 : i32
        %dma_start3A_53 = arith.constant 0 : i32
        %dma_start3A_54 = tpu.memref_slice %arg3[%run_scoped3A, %dma_start3A_51, %dma_start3A_52, %dma_start3A_53] : memref<2x32x160x64xi32, #tpu.memory_space<hbm>> -> memref<1x32x160x64xi32, #tpu.memory_space<hbm>>
        %dma_start3A_55 = tpu.memref_squeeze %dma_start3A_54 : memref<1x32x160x64xi32, #tpu.memory_space<hbm>> -> memref<32x160x64xi32, #tpu.memory_space<hbm>>
        %dma_start3A_56 = arith.constant 0 : i32
        %dma_start3A_57 = arith.constant 0 : i32
        %dma_start3A_58 = tpu.memref_slice %dma_start3A_55[%add3A, %dma_start3A_56, %dma_start3A_57] : memref<32x160x64xi32, #tpu.memory_space<hbm>> -> memref<1x160x64xi32, #tpu.memory_space<hbm>>
        %dma_start3A_59 = tpu.memref_squeeze %dma_start3A_58 : memref<1x160x64xi32, #tpu.memory_space<hbm>> -> memref<160x64xi32, #tpu.memory_space<hbm>>
        %dma_start3A_60 = arith.constant 0 : i32
        %dma_start3A_61 = tpu.memref_slice %dma_start3A_59[%mul3A_14, %dma_start3A_60] : memref<160x64xi32, #tpu.memory_space<hbm>> -> memref<40x64xi32, #tpu.memory_space<hbm>>
        %dma_start3A_62 = arith.constant 0 : i32
        %dma_start3A_63 = arith.constant 0 : i32
        %dma_start3A_64 = arith.constant 0 : i32
        %dma_start3A_65 = tpu.memref_slice %arg3[%run_scoped3A, %dma_start3A_62, %dma_start3A_63, %dma_start3A_64] : memref<2x32x160x64xi32, #tpu.memory_space<hbm>> -> memref<1x32x160x64xi32, #tpu.memory_space<hbm>>
        %dma_start3A_66 = tpu.memref_squeeze %dma_start3A_65 : memref<1x32x160x64xi32, #tpu.memory_space<hbm>> -> memref<32x160x64xi32, #tpu.memory_space<hbm>>
        %dma_start3A_67 = arith.constant 0 : i32
        %dma_start3A_68 = arith.constant 0 : i32
        %dma_start3A_69 = tpu.memref_slice %dma_start3A_66[%add3A, %dma_start3A_67, %dma_start3A_68] : memref<32x160x64xi32, #tpu.memory_space<hbm>> -> memref<1x160x64xi32, #tpu.memory_space<hbm>>
        %dma_start3A_70 = tpu.memref_squeeze %dma_start3A_69 : memref<1x160x64xi32, #tpu.memory_space<hbm>> -> memref<160x64xi32, #tpu.memory_space<hbm>>
        %dma_start3A_71 = arith.constant 0 : i32
        %dma_start3A_72 = tpu.memref_slice %dma_start3A_70[%mul3A_14, %dma_start3A_71] : memref<160x64xi32, #tpu.memory_space<hbm>> -> memref<40x64xi32, #tpu.memory_space<hbm>>
        tpu.enqueue_dma source(%dma_start3A_72 : memref<40x64xi32, #tpu.memory_space<hbm>>) target(%arg6 : memref<40x64xi32, #tpu.memory_space<vmem>>) target_semaphore(%run_scoped3A_50 : memref<!tpu.dma_semaphore, #tpu.memory_space<semaphore_mem>>)
        %dma_wait3A = arith.constant 0 : i32
        %dma_wait3A_73 = arith.constant 0 : i32
        %dma_wait3A_74 = arith.constant 0 : i32
        %dma_wait3A_75 = tpu.memref_slice %arg3[%run_scoped3A, %dma_wait3A, %dma_wait3A_73, %dma_wait3A_74] : memref<2x32x160x64xi32, #tpu.memory_space<hbm>> -> memref<1x32x160x64xi32, #tpu.memory_space<hbm>>
        %dma_wait3A_76 = tpu.memref_squeeze %dma_wait3A_75 : memref<1x32x160x64xi32, #tpu.memory_space<hbm>> -> memref<32x160x64xi32, #tpu.memory_space<hbm>>
        %dma_wait3A_77 = arith.constant 0 : i32
        %dma_wait3A_78 = arith.constant 0 : i32
        %dma_wait3A_79 = tpu.memref_slice %dma_wait3A_76[%add3A, %dma_wait3A_77, %dma_wait3A_78] : memref<32x160x64xi32, #tpu.memory_space<hbm>> -> memref<1x160x64xi32, #tpu.memory_space<hbm>>
        %dma_wait3A_80 = tpu.memref_squeeze %dma_wait3A_79 : memref<1x160x64xi32, #tpu.memory_space<hbm>> -> memref<160x64xi32, #tpu.memory_space<hbm>>
        %dma_wait3A_81 = arith.constant 0 : i32
        %dma_wait3A_82 = tpu.memref_slice %dma_wait3A_80[%mul3A_14, %dma_wait3A_81] : memref<160x64xi32, #tpu.memory_space<hbm>> -> memref<40x64xi32, #tpu.memory_space<hbm>>
        %dma_wait3A_83 = arith.constant 0 : i32
        %dma_wait3A_84 = arith.constant 0 : i32
        %dma_wait3A_85 = arith.constant 0 : i32
        %dma_wait3A_86 = tpu.memref_slice %arg3[%run_scoped3A, %dma_wait3A_83, %dma_wait3A_84, %dma_wait3A_85] : memref<2x32x160x64xi32, #tpu.memory_space<hbm>> -> memref<1x32x160x64xi32, #tpu.memory_space<hbm>>
        %dma_wait3A_87 = tpu.memref_squeeze %dma_wait3A_86 : memref<1x32x160x64xi32, #tpu.memory_space<hbm>> -> memref<32x160x64xi32, #tpu.memory_space<hbm>>
        %dma_wait3A_88 = arith.constant 0 : i32
        %dma_wait3A_89 = arith.constant 0 : i32
        %dma_wait3A_90 = tpu.memref_slice %dma_wait3A_87[%add3A, %dma_wait3A_88, %dma_wait3A_89] : memref<32x160x64xi32, #tpu.memory_space<hbm>> -> memref<1x160x64xi32, #tpu.memory_space<hbm>>
        %dma_wait3A_91 = tpu.memref_squeeze %dma_wait3A_90 : memref<1x160x64xi32, #tpu.memory_space<hbm>> -> memref<160x64xi32, #tpu.memory_space<hbm>>
        %dma_wait3A_92 = arith.constant 0 : i32
        %dma_wait3A_93 = tpu.memref_slice %dma_wait3A_91[%mul3A_14, %dma_wait3A_92] : memref<160x64xi32, #tpu.memory_space<hbm>> -> memref<40x64xi32, #tpu.memory_space<hbm>>
        tpu.wait_dma2 semaphore(%run_scoped3A_50 : memref<!tpu.dma_semaphore, #tpu.memory_space<semaphore_mem>>) src(%dma_wait3A_93 : memref<40x64xi32, #tpu.memory_space<hbm>>) dst(%arg6 : memref<40x64xi32, #tpu.memory_space<vmem>>)
        tpu.yield
      }) : () -> ()
      %mul3A_15 = arith.constant 40 : i32
      %mul3A_16 = arith.muli %add3A_12, %mul3A_15 : i32
      %run_scoped3A_17 = arith.constant 1 : i32
      "tpu.region"() ({
        %run_scoped3A_50 = tpu.sem_alloc : memref<!tpu.dma_semaphore, #tpu.memory_space<semaphore_mem>>
        %dma_start3A_51 = arith.constant 0 : i32
        %dma_start3A_52 = arith.constant 0 : i32
        %dma_start3A_53 = arith.constant 0 : i32
        %dma_start3A_54 = tpu.memref_slice %arg3[%run_scoped3A_17, %dma_start3A_51, %dma_start3A_52, %dma_start3A_53] : memref<2x32x160x64xi32, #tpu.memory_space<hbm>> -> memref<1x32x160x64xi32, #tpu.memory_space<hbm>>
        %dma_start3A_55 = tpu.memref_squeeze %dma_start3A_54 : memref<1x32x160x64xi32, #tpu.memory_space<hbm>> -> memref<32x160x64xi32, #tpu.memory_space<hbm>>
        %dma_start3A_56 = arith.constant 0 : i32
        %dma_start3A_57 = arith.constant 0 : i32
        %dma_start3A_58 = tpu.memref_slice %dma_start3A_55[%add3A, %dma_start3A_56, %dma_start3A_57] : memref<32x160x64xi32, #tpu.memory_space<hbm>> -> memref<1x160x64xi32, #tpu.memory_space<hbm>>
        %dma_start3A_59 = tpu.memref_squeeze %dma_start3A_58 : memref<1x160x64xi32, #tpu.memory_space<hbm>> -> memref<160x64xi32, #tpu.memory_space<hbm>>
        %dma_start3A_60 = arith.constant 0 : i32
        %dma_start3A_61 = tpu.memref_slice %dma_start3A_59[%mul3A_16, %dma_start3A_60] : memref<160x64xi32, #tpu.memory_space<hbm>> -> memref<40x64xi32, #tpu.memory_space<hbm>>
        %dma_start3A_62 = arith.constant 0 : i32
        %dma_start3A_63 = arith.constant 0 : i32
        %dma_start3A_64 = arith.constant 0 : i32
        %dma_start3A_65 = tpu.memref_slice %arg3[%run_scoped3A_17, %dma_start3A_62, %dma_start3A_63, %dma_start3A_64] : memref<2x32x160x64xi32, #tpu.memory_space<hbm>> -> memref<1x32x160x64xi32, #tpu.memory_space<hbm>>
        %dma_start3A_66 = tpu.memref_squeeze %dma_start3A_65 : memref<1x32x160x64xi32, #tpu.memory_space<hbm>> -> memref<32x160x64xi32, #tpu.memory_space<hbm>>
        %dma_start3A_67 = arith.constant 0 : i32
        %dma_start3A_68 = arith.constant 0 : i32
        %dma_start3A_69 = tpu.memref_slice %dma_start3A_66[%add3A, %dma_start3A_67, %dma_start3A_68] : memref<32x160x64xi32, #tpu.memory_space<hbm>> -> memref<1x160x64xi32, #tpu.memory_space<hbm>>
        %dma_start3A_70 = tpu.memref_squeeze %dma_start3A_69 : memref<1x160x64xi32, #tpu.memory_space<hbm>> -> memref<160x64xi32, #tpu.memory_space<hbm>>
        %dma_start3A_71 = arith.constant 0 : i32
        %dma_start3A_72 = tpu.memref_slice %dma_start3A_70[%mul3A_16, %dma_start3A_71] : memref<160x64xi32, #tpu.memory_space<hbm>> -> memref<40x64xi32, #tpu.memory_space<hbm>>
        tpu.enqueue_dma source(%dma_start3A_72 : memref<40x64xi32, #tpu.memory_space<hbm>>) target(%arg7 : memref<40x64xi32, #tpu.memory_space<vmem>>) target_semaphore(%run_scoped3A_50 : memref<!tpu.dma_semaphore, #tpu.memory_space<semaphore_mem>>)
        %dma_wait3A = arith.constant 0 : i32
        %dma_wait3A_73 = arith.constant 0 : i32
        %dma_wait3A_74 = arith.constant 0 : i32
        %dma_wait3A_75 = tpu.memref_slice %arg3[%run_scoped3A_17, %dma_wait3A, %dma_wait3A_73, %dma_wait3A_74] : memref<2x32x160x64xi32, #tpu.memory_space<hbm>> -> memref<1x32x160x64xi32, #tpu.memory_space<hbm>>
        %dma_wait3A_76 = tpu.memref_squeeze %dma_wait3A_75 : memref<1x32x160x64xi32, #tpu.memory_space<hbm>> -> memref<32x160x64xi32, #tpu.memory_space<hbm>>
        %dma_wait3A_77 = arith.constant 0 : i32
        %dma_wait3A_78 = arith.constant 0 : i32
        %dma_wait3A_79 = tpu.memref_slice %dma_wait3A_76[%add3A, %dma_wait3A_77, %dma_wait3A_78] : memref<32x160x64xi32, #tpu.memory_space<hbm>> -> memref<1x160x64xi32, #tpu.memory_space<hbm>>
        %dma_wait3A_80 = tpu.memref_squeeze %dma_wait3A_79 : memref<1x160x64xi32, #tpu.memory_space<hbm>> -> memref<160x64xi32, #tpu.memory_space<hbm>>
        %dma_wait3A_81 = arith.constant 0 : i32
        %dma_wait3A_82 = tpu.memref_slice %dma_wait3A_80[%mul3A_16, %dma_wait3A_81] : memref<160x64xi32, #tpu.memory_space<hbm>> -> memref<40x64xi32, #tpu.memory_space<hbm>>
        %dma_wait3A_83 = arith.constant 0 : i32
        %dma_wait3A_84 = arith.constant 0 : i32
        %dma_wait3A_85 = arith.constant 0 : i32
        %dma_wait3A_86 = tpu.memref_slice %arg3[%run_scoped3A_17, %dma_wait3A_83, %dma_wait3A_84, %dma_wait3A_85] : memref<2x32x160x64xi32, #tpu.memory_space<hbm>> -> memref<1x32x160x64xi32, #tpu.memory_space<hbm>>
        %dma_wait3A_87 = tpu.memref_squeeze %dma_wait3A_86 : memref<1x32x160x64xi32, #tpu.memory_space<hbm>> -> memref<32x160x64xi32, #tpu.memory_space<hbm>>
        %dma_wait3A_88 = arith.constant 0 : i32
        %dma_wait3A_89 = arith.constant 0 : i32
        %dma_wait3A_90 = tpu.memref_slice %dma_wait3A_87[%add3A, %dma_wait3A_88, %dma_wait3A_89] : memref<32x160x64xi32, #tpu.memory_space<hbm>> -> memref<1x160x64xi32, #tpu.memory_space<hbm>>
        %dma_wait3A_91 = tpu.memref_squeeze %dma_wait3A_90 : memref<1x160x64xi32, #tpu.memory_space<hbm>> -> memref<160x64xi32, #tpu.memory_space<hbm>>
        %dma_wait3A_92 = arith.constant 0 : i32
        %dma_wait3A_93 = tpu.memref_slice %dma_wait3A_91[%mul3A_16, %dma_wait3A_92] : memref<160x64xi32, #tpu.memory_space<hbm>> -> memref<40x64xi32, #tpu.memory_space<hbm>>
        tpu.wait_dma2 semaphore(%run_scoped3A_50 : memref<!tpu.dma_semaphore, #tpu.memory_space<semaphore_mem>>) src(%dma_wait3A_93 : memref<40x64xi32, #tpu.memory_space<hbm>>) dst(%arg7 : memref<40x64xi32, #tpu.memory_space<vmem>>)
        tpu.yield
      }) : () -> ()
      %dma_start3A = arith.constant 0 : i32
      %dma_start3A_18 = arith.constant 0 : i32
      %dma_start3A_19 = tpu.memref_slice %arg6[%dma_start3A, %dma_start3A_18] : memref<40x64xi32, #tpu.memory_space<vmem>> -> memref<1x64xi32, #tpu.memory_space<vmem>>
      %dma_start3A_20 = tpu.memref_squeeze %dma_start3A_19 : memref<1x64xi32, #tpu.memory_space<vmem>> -> memref<64xi32, #tpu.memory_space<vmem>>
      %dma_start3A_21 = arith.constant 0 : i32
      %dma_start3A_22 = arith.constant 0 : i32
      %dma_start3A_23 = tpu.memref_slice %arg2[%dma_start3A_21, %dma_start3A_22] : memref<10000x128xf32, #tpu.memory_space<hbm>> -> memref<10000x128xf32, #tpu.memory_space<hbm>>
      tpu.enqueue_indirect_dma source(%dma_start3A_23 : memref<10000x128xf32, #tpu.memory_space<hbm>>) target(%arg8 : memref<64x128xf32, #tpu.memory_space<vmem>>) offsets(%dma_start3A_20 : memref<64xi32, #tpu.memory_space<vmem>>) semaphore(%arg13 : memref<!tpu.dma_semaphore, #tpu.memory_space<semaphore_mem>>)
      %dma_start3A_24 = arith.constant 1 : i32
      %dma_start3A_25 = arith.constant 0 : i32
      %dma_start3A_26 = tpu.memref_slice %arg6[%dma_start3A_24, %dma_start3A_25] : memref<40x64xi32, #tpu.memory_space<vmem>> -> memref<1x64xi32, #tpu.memory_space<vmem>>
      %dma_start3A_27 = tpu.memref_squeeze %dma_start3A_26 : memref<1x64xi32, #tpu.memory_space<vmem>> -> memref<64xi32, #tpu.memory_space<vmem>>
      %dma_start3A_28 = arith.constant 0 : i32
      %dma_start3A_29 = arith.constant 0 : i32
      %dma_start3A_30 = tpu.memref_slice %arg2[%dma_start3A_28, %dma_start3A_29] : memref<10000x128xf32, #tpu.memory_space<hbm>> -> memref<10000x128xf32, #tpu.memory_space<hbm>>
      tpu.enqueue_indirect_dma source(%dma_start3A_30 : memref<10000x128xf32, #tpu.memory_space<hbm>>) target(%arg9 : memref<64x128xf32, #tpu.memory_space<vmem>>) offsets(%dma_start3A_27 : memref<64xi32, #tpu.memory_space<vmem>>) semaphore(%arg14 : memref<!tpu.dma_semaphore, #tpu.memory_space<semaphore_mem>>)
      %dma_start3A_31 = arith.constant 2 : i32
      %dma_start3A_32 = arith.constant 0 : i32
      %dma_start3A_33 = tpu.memref_slice %arg6[%dma_start3A_31, %dma_start3A_32] : memref<40x64xi32, #tpu.memory_space<vmem>> -> memref<1x64xi32, #tpu.memory_space<vmem>>
      %dma_start3A_34 = tpu.memref_squeeze %dma_start3A_33 : memref<1x64xi32, #tpu.memory_space<vmem>> -> memref<64xi32, #tpu.memory_space<vmem>>
      %dma_start3A_35 = arith.constant 0 : i32
      %dma_start3A_36 = arith.constant 0 : i32
      %dma_start3A_37 = tpu.memref_slice %arg2[%dma_start3A_35, %dma_start3A_36] : memref<10000x128xf32, #tpu.memory_space<hbm>> -> memref<10000x128xf32, #tpu.memory_space<hbm>>
      tpu.enqueue_indirect_dma source(%dma_start3A_37 : memref<10000x128xf32, #tpu.memory_space<hbm>>) target(%arg10 : memref<64x128xf32, #tpu.memory_space<vmem>>) offsets(%dma_start3A_34 : memref<64xi32, #tpu.memory_space<vmem>>) semaphore(%arg15 : memref<!tpu.dma_semaphore, #tpu.memory_space<semaphore_mem>>)
      %dma_start3A_38 = arith.constant 3 : i32
      %dma_start3A_39 = arith.constant 0 : i32
      %dma_start3A_40 = tpu.memref_slice %arg6[%dma_start3A_38, %dma_start3A_39] : memref<40x64xi32, #tpu.memory_space<vmem>> -> memref<1x64xi32, #tpu.memory_space<vmem>>
      %dma_start3A_41 = tpu.memref_squeeze %dma_start3A_40 : memref<1x64xi32, #tpu.memory_space<vmem>> -> memref<64xi32, #tpu.memory_space<vmem>>
      %dma_start3A_42 = arith.constant 0 : i32
      %dma_start3A_43 = arith.constant 0 : i32
      %dma_start3A_44 = tpu.memref_slice %arg2[%dma_start3A_42, %dma_start3A_43] : memref<10000x128xf32, #tpu.memory_space<hbm>> -> memref<10000x128xf32, #tpu.memory_space<hbm>>
      tpu.enqueue_indirect_dma source(%dma_start3A_44 : memref<10000x128xf32, #tpu.memory_space<hbm>>) target(%arg11 : memref<64x128xf32, #tpu.memory_space<vmem>>) offsets(%dma_start3A_41 : memref<64xi32, #tpu.memory_space<vmem>>) semaphore(%arg16 : memref<!tpu.dma_semaphore, #tpu.memory_space<semaphore_mem>>)
      %scan3A_45 = arith.constant 0 : i32
      %scan3A_46 = arith.constant 10 : i32
      %scan3A_47 = arith.addi %scan3A_45, %scan3A_46 : i32
      %scan3A_48 = arith.constant 1 : i32
      scf.for %scan3A_50 = %scan3A_45 to %scan3A_47 step %scan3A_48  : i32 {
        %mul3A_51 = arith.constant 4 : i32
        %mul3A_52 = arith.muli %scan3A_50, %mul3A_51 : i32
        %add3A_53 = arith.constant 0 : i32
        %add3A_54 = arith.addi %add3A_53, %mul3A_52 : i32
        %add3A_55 = arith.constant 0 : i32
        %add3A_56 = arith.addi %add3A_54, %add3A_55 : i32
        %dma_wait3A = arith.constant 0 : i32
        %dma_wait3A_57 = tpu.memref_slice %arg6[%add3A_56, %dma_wait3A] : memref<40x64xi32, #tpu.memory_space<vmem>> -> memref<1x64xi32, #tpu.memory_space<vmem>>
        %dma_wait3A_58 = tpu.memref_squeeze %dma_wait3A_57 : memref<1x64xi32, #tpu.memory_space<vmem>> -> memref<64xi32, #tpu.memory_space<vmem>>
        %dma_wait3A_59 = arith.constant 0 : i32
        %dma_wait3A_60 = arith.constant 0 : i32
        %dma_wait3A_61 = tpu.memref_slice %arg2[%dma_wait3A_59, %dma_wait3A_60] : memref<10000x128xf32, #tpu.memory_space<hbm>> -> memref<10000x128xf32, #tpu.memory_space<hbm>>
        tpu.wait_indirect_dma semaphore(%arg13 : memref<!tpu.dma_semaphore, #tpu.memory_space<semaphore_mem>>) src(%dma_wait3A_61 : memref<10000x128xf32, #tpu.memory_space<hbm>>) dst(%arg8 : memref<64x128xf32, #tpu.memory_space<vmem>>)
        %add3A_62 = arith.constant 0 : i32
        %add3A_63 = arith.addi %add3A_54, %add3A_62 : i32
        "tpu.region"() ({
          %run_scoped3A_127 = tpu.sem_alloc : memref<!tpu.dma_semaphore, #tpu.memory_space<semaphore_mem>>
          %dma_start3A_128 = arith.constant 0 : i32
          %dma_start3A_129 = tpu.memref_slice %arg7[%add3A_63, %dma_start3A_128] : memref<40x64xi32, #tpu.memory_space<vmem>> -> memref<1x64xi32, #tpu.memory_space<vmem>>
          %dma_start3A_130 = tpu.memref_squeeze %dma_start3A_129 : memref<1x64xi32, #tpu.memory_space<vmem>> -> memref<64xi32, #tpu.memory_space<vmem>>
          %dma_start3A_131 = arith.constant 0 : i32
          %dma_start3A_132 = arith.constant 0 : i32
          %dma_start3A_133 = tpu.memref_slice %arg12[%dma_start3A_131, %dma_start3A_132] : memref<10112x128xf32, #tpu.memory_space<vmem_shared>> -> memref<10112x128xf32, #tpu.memory_space<vmem_shared>>
          tpu.enqueue_indirect_dma source(%arg8 : memref<64x128xf32, #tpu.memory_space<vmem>>) target(%dma_start3A_133 : memref<10112x128xf32, #tpu.memory_space<vmem_shared>>) offsets(%dma_start3A_130 : memref<64xi32, #tpu.memory_space<vmem>>) semaphore(%run_scoped3A_127 : memref<!tpu.dma_semaphore, #tpu.memory_space<semaphore_mem>>) {add = true}
          %dma_wait3A_134 = arith.constant 0 : i32
          %dma_wait3A_135 = tpu.memref_slice %arg7[%add3A_63, %dma_wait3A_134] : memref<40x64xi32, #tpu.memory_space<vmem>> -> memref<1x64xi32, #tpu.memory_space<vmem>>
          %dma_wait3A_136 = tpu.memref_squeeze %dma_wait3A_135 : memref<1x64xi32, #tpu.memory_space<vmem>> -> memref<64xi32, #tpu.memory_space<vmem>>
          %dma_wait3A_137 = arith.constant 0 : i32
          %dma_wait3A_138 = arith.constant 0 : i32
          %dma_wait3A_139 = tpu.memref_slice %arg12[%dma_wait3A_137, %dma_wait3A_138] : memref<10112x128xf32, #tpu.memory_space<vmem_shared>> -> memref<10112x128xf32, #tpu.memory_space<vmem_shared>>
          tpu.wait_indirect_dma semaphore(%run_scoped3A_127 : memref<!tpu.dma_semaphore, #tpu.memory_space<semaphore_mem>>) src(%arg8 : memref<64x128xf32, #tpu.memory_space<vmem>>) dst(%dma_wait3A_139 : memref<10112x128xf32, #tpu.memory_space<vmem_shared>>)
          tpu.yield
        }) : () -> ()
        %add3A_64 = arith.constant 0 : i32
        %add3A_65 = arith.addi %add3A_54, %add3A_64 : i32
        %add3A_66 = arith.constant 4 : i32
        %add3A_67 = arith.addi %add3A_65, %add3A_66 : i32
        %lt3A = arith.constant 40 : i32
        %lt3A_68 = arith.cmpi slt, %add3A_67, %lt3A : i32
        %convert_element_type3A = arith.extui %lt3A_68 : i1 to i32
        %cond3A = arith.constant 0 : i32
        %cond3A_69 = arith.cmpi ne, %convert_element_type3A, %cond3A : i32
        scf.if %cond3A_69 {
          %add3A_127 = arith.constant 0 : i32
          %add3A_128 = arith.addi %add3A_54, %add3A_127 : i32
          %add3A_129 = arith.constant 4 : i32
          %add3A_130 = arith.addi %add3A_128, %add3A_129 : i32
          %dma_start3A_131 = arith.constant 0 : i32
          %dma_start3A_132 = tpu.memref_slice %arg6[%add3A_130, %dma_start3A_131] : memref<40x64xi32, #tpu.memory_space<vmem>> -> memref<1x64xi32, #tpu.memory_space<vmem>>
          %dma_start3A_133 = tpu.memref_squeeze %dma_start3A_132 : memref<1x64xi32, #tpu.memory_space<vmem>> -> memref<64xi32, #tpu.memory_space<vmem>>
          %dma_start3A_134 = arith.constant 0 : i32
          %dma_start3A_135 = arith.constant 0 : i32
          %dma_start3A_136 = tpu.memref_slice %arg2[%dma_start3A_134, %dma_start3A_135] : memref<10000x128xf32, #tpu.memory_space<hbm>> -> memref<10000x128xf32, #tpu.memory_space<hbm>>
          tpu.enqueue_indirect_dma source(%dma_start3A_136 : memref<10000x128xf32, #tpu.memory_space<hbm>>) target(%arg8 : memref<64x128xf32, #tpu.memory_space<vmem>>) offsets(%dma_start3A_133 : memref<64xi32, #tpu.memory_space<vmem>>) semaphore(%arg13 : memref<!tpu.dma_semaphore, #tpu.memory_space<semaphore_mem>>)
        } else {
        }
        %add3A_70 = arith.constant 1 : i32
        %add3A_71 = arith.addi %add3A_54, %add3A_70 : i32
        %dma_wait3A_72 = arith.constant 0 : i32
        %dma_wait3A_73 = tpu.memref_slice %arg6[%add3A_71, %dma_wait3A_72] : memref<40x64xi32, #tpu.memory_space<vmem>> -> memref<1x64xi32, #tpu.memory_space<vmem>>
        %dma_wait3A_74 = tpu.memref_squeeze %dma_wait3A_73 : memref<1x64xi32, #tpu.memory_space<vmem>> -> memref<64xi32, #tpu.memory_space<vmem>>
        %dma_wait3A_75 = arith.constant 0 : i32
        %dma_wait3A_76 = arith.constant 0 : i32
        %dma_wait3A_77 = tpu.memref_slice %arg2[%dma_wait3A_75, %dma_wait3A_76] : memref<10000x128xf32, #tpu.memory_space<hbm>> -> memref<10000x128xf32, #tpu.memory_space<hbm>>
        tpu.wait_indirect_dma semaphore(%arg14 : memref<!tpu.dma_semaphore, #tpu.memory_space<semaphore_mem>>) src(%dma_wait3A_77 : memref<10000x128xf32, #tpu.memory_space<hbm>>) dst(%arg9 : memref<64x128xf32, #tpu.memory_space<vmem>>)
        %add3A_78 = arith.constant 1 : i32
        %add3A_79 = arith.addi %add3A_54, %add3A_78 : i32
        "tpu.region"() ({
          %run_scoped3A_127 = tpu.sem_alloc : memref<!tpu.dma_semaphore, #tpu.memory_space<semaphore_mem>>
          %dma_start3A_128 = arith.constant 0 : i32
          %dma_start3A_129 = tpu.memref_slice %arg7[%add3A_79, %dma_start3A_128] : memref<40x64xi32, #tpu.memory_space<vmem>> -> memref<1x64xi32, #tpu.memory_space<vmem>>
          %dma_start3A_130 = tpu.memref_squeeze %dma_start3A_129 : memref<1x64xi32, #tpu.memory_space<vmem>> -> memref<64xi32, #tpu.memory_space<vmem>>
          %dma_start3A_131 = arith.constant 0 : i32
          %dma_start3A_132 = arith.constant 0 : i32
          %dma_start3A_133 = tpu.memref_slice %arg12[%dma_start3A_131, %dma_start3A_132] : memref<10112x128xf32, #tpu.memory_space<vmem_shared>> -> memref<10112x128xf32, #tpu.memory_space<vmem_shared>>
          tpu.enqueue_indirect_dma source(%arg9 : memref<64x128xf32, #tpu.memory_space<vmem>>) target(%dma_start3A_133 : memref<10112x128xf32, #tpu.memory_space<vmem_shared>>) offsets(%dma_start3A_130 : memref<64xi32, #tpu.memory_space<vmem>>) semaphore(%run_scoped3A_127 : memref<!tpu.dma_semaphore, #tpu.memory_space<semaphore_mem>>) {add = true}
          %dma_wait3A_134 = arith.constant 0 : i32
          %dma_wait3A_135 = tpu.memref_slice %arg7[%add3A_79, %dma_wait3A_134] : memref<40x64xi32, #tpu.memory_space<vmem>> -> memref<1x64xi32, #tpu.memory_space<vmem>>
          %dma_wait3A_136 = tpu.memref_squeeze %dma_wait3A_135 : memref<1x64xi32, #tpu.memory_space<vmem>> -> memref<64xi32, #tpu.memory_space<vmem>>
          %dma_wait3A_137 = arith.constant 0 : i32
          %dma_wait3A_138 = arith.constant 0 : i32
          %dma_wait3A_139 = tpu.memref_slice %arg12[%dma_wait3A_137, %dma_wait3A_138] : memref<10112x128xf32, #tpu.memory_space<vmem_shared>> -> memref<10112x128xf32, #tpu.memory_space<vmem_shared>>
          tpu.wait_indirect_dma semaphore(%run_scoped3A_127 : memref<!tpu.dma_semaphore, #tpu.memory_space<semaphore_mem>>) src(%arg9 : memref<64x128xf32, #tpu.memory_space<vmem>>) dst(%dma_wait3A_139 : memref<10112x128xf32, #tpu.memory_space<vmem_shared>>)
          tpu.yield
        }) : () -> ()
        %add3A_80 = arith.constant 1 : i32
        %add3A_81 = arith.addi %add3A_54, %add3A_80 : i32
        %add3A_82 = arith.constant 4 : i32
        %add3A_83 = arith.addi %add3A_81, %add3A_82 : i32
        %lt3A_84 = arith.constant 40 : i32
        %lt3A_85 = arith.cmpi slt, %add3A_83, %lt3A_84 : i32
        %convert_element_type3A_86 = arith.extui %lt3A_85 : i1 to i32
        %cond3A_87 = arith.constant 0 : i32
        %cond3A_88 = arith.cmpi ne, %convert_element_type3A_86, %cond3A_87 : i32
        scf.if %cond3A_88 {
          %add3A_127 = arith.constant 1 : i32
          %add3A_128 = arith.addi %add3A_54, %add3A_127 : i32
          %add3A_129 = arith.constant 4 : i32
          %add3A_130 = arith.addi %add3A_128, %add3A_129 : i32
          %dma_start3A_131 = arith.constant 0 : i32
          %dma_start3A_132 = tpu.memref_slice %arg6[%add3A_130, %dma_start3A_131] : memref<40x64xi32, #tpu.memory_space<vmem>> -> memref<1x64xi32, #tpu.memory_space<vmem>>
          %dma_start3A_133 = tpu.memref_squeeze %dma_start3A_132 : memref<1x64xi32, #tpu.memory_space<vmem>> -> memref<64xi32, #tpu.memory_space<vmem>>
          %dma_start3A_134 = arith.constant 0 : i32
          %dma_start3A_135 = arith.constant 0 : i32
          %dma_start3A_136 = tpu.memref_slice %arg2[%dma_start3A_134, %dma_start3A_135] : memref<10000x128xf32, #tpu.memory_space<hbm>> -> memref<10000x128xf32, #tpu.memory_space<hbm>>
          tpu.enqueue_indirect_dma source(%dma_start3A_136 : memref<10000x128xf32, #tpu.memory_space<hbm>>) target(%arg9 : memref<64x128xf32, #tpu.memory_space<vmem>>) offsets(%dma_start3A_133 : memref<64xi32, #tpu.memory_space<vmem>>) semaphore(%arg14 : memref<!tpu.dma_semaphore, #tpu.memory_space<semaphore_mem>>)
        } else {
        }
        %add3A_89 = arith.constant 2 : i32
        %add3A_90 = arith.addi %add3A_54, %add3A_89 : i32
        %dma_wait3A_91 = arith.constant 0 : i32
        %dma_wait3A_92 = tpu.memref_slice %arg6[%add3A_90, %dma_wait3A_91] : memref<40x64xi32, #tpu.memory_space<vmem>> -> memref<1x64xi32, #tpu.memory_space<vmem>>
        %dma_wait3A_93 = tpu.memref_squeeze %dma_wait3A_92 : memref<1x64xi32, #tpu.memory_space<vmem>> -> memref<64xi32, #tpu.memory_space<vmem>>
        %dma_wait3A_94 = arith.constant 0 : i32
        %dma_wait3A_95 = arith.constant 0 : i32
        %dma_wait3A_96 = tpu.memref_slice %arg2[%dma_wait3A_94, %dma_wait3A_95] : memref<10000x128xf32, #tpu.memory_space<hbm>> -> memref<10000x128xf32, #tpu.memory_space<hbm>>
        tpu.wait_indirect_dma semaphore(%arg15 : memref<!tpu.dma_semaphore, #tpu.memory_space<semaphore_mem>>) src(%dma_wait3A_96 : memref<10000x128xf32, #tpu.memory_space<hbm>>) dst(%arg10 : memref<64x128xf32, #tpu.memory_space<vmem>>)
        %add3A_97 = arith.constant 2 : i32
        %add3A_98 = arith.addi %add3A_54, %add3A_97 : i32
        "tpu.region"() ({
          %run_scoped3A_127 = tpu.sem_alloc : memref<!tpu.dma_semaphore, #tpu.memory_space<semaphore_mem>>
          %dma_start3A_128 = arith.constant 0 : i32
          %dma_start3A_129 = tpu.memref_slice %arg7[%add3A_98, %dma_start3A_128] : memref<40x64xi32, #tpu.memory_space<vmem>> -> memref<1x64xi32, #tpu.memory_space<vmem>>
          %dma_start3A_130 = tpu.memref_squeeze %dma_start3A_129 : memref<1x64xi32, #tpu.memory_space<vmem>> -> memref<64xi32, #tpu.memory_space<vmem>>
          %dma_start3A_131 = arith.constant 0 : i32
          %dma_start3A_132 = arith.constant 0 : i32
          %dma_start3A_133 = tpu.memref_slice %arg12[%dma_start3A_131, %dma_start3A_132] : memref<10112x128xf32, #tpu.memory_space<vmem_shared>> -> memref<10112x128xf32, #tpu.memory_space<vmem_shared>>
          tpu.enqueue_indirect_dma source(%arg10 : memref<64x128xf32, #tpu.memory_space<vmem>>) target(%dma_start3A_133 : memref<10112x128xf32, #tpu.memory_space<vmem_shared>>) offsets(%dma_start3A_130 : memref<64xi32, #tpu.memory_space<vmem>>) semaphore(%run_scoped3A_127 : memref<!tpu.dma_semaphore, #tpu.memory_space<semaphore_mem>>) {add = true}
          %dma_wait3A_134 = arith.constant 0 : i32
          %dma_wait3A_135 = tpu.memref_slice %arg7[%add3A_98, %dma_wait3A_134] : memref<40x64xi32, #tpu.memory_space<vmem>> -> memref<1x64xi32, #tpu.memory_space<vmem>>
          %dma_wait3A_136 = tpu.memref_squeeze %dma_wait3A_135 : memref<1x64xi32, #tpu.memory_space<vmem>> -> memref<64xi32, #tpu.memory_space<vmem>>
          %dma_wait3A_137 = arith.constant 0 : i32
          %dma_wait3A_138 = arith.constant 0 : i32
          %dma_wait3A_139 = tpu.memref_slice %arg12[%dma_wait3A_137, %dma_wait3A_138] : memref<10112x128xf32, #tpu.memory_space<vmem_shared>> -> memref<10112x128xf32, #tpu.memory_space<vmem_shared>>
          tpu.wait_indirect_dma semaphore(%run_scoped3A_127 : memref<!tpu.dma_semaphore, #tpu.memory_space<semaphore_mem>>) src(%arg10 : memref<64x128xf32, #tpu.memory_space<vmem>>) dst(%dma_wait3A_139 : memref<10112x128xf32, #tpu.memory_space<vmem_shared>>)
          tpu.yield
        }) : () -> ()
        %add3A_99 = arith.constant 2 : i32
        %add3A_100 = arith.addi %add3A_54, %add3A_99 : i32
        %add3A_101 = arith.constant 4 : i32
        %add3A_102 = arith.addi %add3A_100, %add3A_101 : i32
        %lt3A_103 = arith.constant 40 : i32
        %lt3A_104 = arith.cmpi slt, %add3A_102, %lt3A_103 : i32
        %convert_element_type3A_105 = arith.extui %lt3A_104 : i1 to i32
        %cond3A_106 = arith.constant 0 : i32
        %cond3A_107 = arith.cmpi ne, %convert_element_type3A_105, %cond3A_106 : i32
        scf.if %cond3A_107 {
          %add3A_127 = arith.constant 2 : i32
          %add3A_128 = arith.addi %add3A_54, %add3A_127 : i32
          %add3A_129 = arith.constant 4 : i32
          %add3A_130 = arith.addi %add3A_128, %add3A_129 : i32
          %dma_start3A_131 = arith.constant 0 : i32
          %dma_start3A_132 = tpu.memref_slice %arg6[%add3A_130, %dma_start3A_131] : memref<40x64xi32, #tpu.memory_space<vmem>> -> memref<1x64xi32, #tpu.memory_space<vmem>>
          %dma_start3A_133 = tpu.memref_squeeze %dma_start3A_132 : memref<1x64xi32, #tpu.memory_space<vmem>> -> memref<64xi32, #tpu.memory_space<vmem>>
          %dma_start3A_134 = arith.constant 0 : i32
          %dma_start3A_135 = arith.constant 0 : i32
          %dma_start3A_136 = tpu.memref_slice %arg2[%dma_start3A_134, %dma_start3A_135] : memref<10000x128xf32, #tpu.memory_space<hbm>> -> memref<10000x128xf32, #tpu.memory_space<hbm>>
          tpu.enqueue_indirect_dma source(%dma_start3A_136 : memref<10000x128xf32, #tpu.memory_space<hbm>>) target(%arg10 : memref<64x128xf32, #tpu.memory_space<vmem>>) offsets(%dma_start3A_133 : memref<64xi32, #tpu.memory_space<vmem>>) semaphore(%arg15 : memref<!tpu.dma_semaphore, #tpu.memory_space<semaphore_mem>>)
        } else {
        }
        %add3A_108 = arith.constant 3 : i32
        %add3A_109 = arith.addi %add3A_54, %add3A_108 : i32
        %dma_wait3A_110 = arith.constant 0 : i32
        %dma_wait3A_111 = tpu.memref_slice %arg6[%add3A_109, %dma_wait3A_110] : memref<40x64xi32, #tpu.memory_space<vmem>> -> memref<1x64xi32, #tpu.memory_space<vmem>>
        %dma_wait3A_112 = tpu.memref_squeeze %dma_wait3A_111 : memref<1x64xi32, #tpu.memory_space<vmem>> -> memref<64xi32, #tpu.memory_space<vmem>>
        %dma_wait3A_113 = arith.constant 0 : i32
        %dma_wait3A_114 = arith.constant 0 : i32
        %dma_wait3A_115 = tpu.memref_slice %arg2[%dma_wait3A_113, %dma_wait3A_114] : memref<10000x128xf32, #tpu.memory_space<hbm>> -> memref<10000x128xf32, #tpu.memory_space<hbm>>
        tpu.wait_indirect_dma semaphore(%arg16 : memref<!tpu.dma_semaphore, #tpu.memory_space<semaphore_mem>>) src(%dma_wait3A_115 : memref<10000x128xf32, #tpu.memory_space<hbm>>) dst(%arg11 : memref<64x128xf32, #tpu.memory_space<vmem>>)
        %add3A_116 = arith.constant 3 : i32
        %add3A_117 = arith.addi %add3A_54, %add3A_116 : i32
        "tpu.region"() ({
          %run_scoped3A_127 = tpu.sem_alloc : memref<!tpu.dma_semaphore, #tpu.memory_space<semaphore_mem>>
          %dma_start3A_128 = arith.constant 0 : i32
          %dma_start3A_129 = tpu.memref_slice %arg7[%add3A_117, %dma_start3A_128] : memref<40x64xi32, #tpu.memory_space<vmem>> -> memref<1x64xi32, #tpu.memory_space<vmem>>
          %dma_start3A_130 = tpu.memref_squeeze %dma_start3A_129 : memref<1x64xi32, #tpu.memory_space<vmem>> -> memref<64xi32, #tpu.memory_space<vmem>>
          %dma_start3A_131 = arith.constant 0 : i32
          %dma_start3A_132 = arith.constant 0 : i32
          %dma_start3A_133 = tpu.memref_slice %arg12[%dma_start3A_131, %dma_start3A_132] : memref<10112x128xf32, #tpu.memory_space<vmem_shared>> -> memref<10112x128xf32, #tpu.memory_space<vmem_shared>>
          tpu.enqueue_indirect_dma source(%arg11 : memref<64x128xf32, #tpu.memory_space<vmem>>) target(%dma_start3A_133 : memref<10112x128xf32, #tpu.memory_space<vmem_shared>>) offsets(%dma_start3A_130 : memref<64xi32, #tpu.memory_space<vmem>>) semaphore(%run_scoped3A_127 : memref<!tpu.dma_semaphore, #tpu.memory_space<semaphore_mem>>) {add = true}
          %dma_wait3A_134 = arith.constant 0 : i32
          %dma_wait3A_135 = tpu.memref_slice %arg7[%add3A_117, %dma_wait3A_134] : memref<40x64xi32, #tpu.memory_space<vmem>> -> memref<1x64xi32, #tpu.memory_space<vmem>>
          %dma_wait3A_136 = tpu.memref_squeeze %dma_wait3A_135 : memref<1x64xi32, #tpu.memory_space<vmem>> -> memref<64xi32, #tpu.memory_space<vmem>>
          %dma_wait3A_137 = arith.constant 0 : i32
          %dma_wait3A_138 = arith.constant 0 : i32
          %dma_wait3A_139 = tpu.memref_slice %arg12[%dma_wait3A_137, %dma_wait3A_138] : memref<10112x128xf32, #tpu.memory_space<vmem_shared>> -> memref<10112x128xf32, #tpu.memory_space<vmem_shared>>
          tpu.wait_indirect_dma semaphore(%run_scoped3A_127 : memref<!tpu.dma_semaphore, #tpu.memory_space<semaphore_mem>>) src(%arg11 : memref<64x128xf32, #tpu.memory_space<vmem>>) dst(%dma_wait3A_139 : memref<10112x128xf32, #tpu.memory_space<vmem_shared>>)
          tpu.yield
        }) : () -> ()
        %add3A_118 = arith.constant 3 : i32
        %add3A_119 = arith.addi %add3A_54, %add3A_118 : i32
        %add3A_120 = arith.constant 4 : i32
        %add3A_121 = arith.addi %add3A_119, %add3A_120 : i32
        %lt3A_122 = arith.constant 40 : i32
        %lt3A_123 = arith.cmpi slt, %add3A_121, %lt3A_122 : i32
        %convert_element_type3A_124 = arith.extui %lt3A_123 : i1 to i32
        %cond3A_125 = arith.constant 0 : i32
        %cond3A_126 = arith.cmpi ne, %convert_element_type3A_124, %cond3A_125 : i32
        scf.if %cond3A_126 {
          %add3A_127 = arith.constant 3 : i32
          %add3A_128 = arith.addi %add3A_54, %add3A_127 : i32
          %add3A_129 = arith.constant 4 : i32
          %add3A_130 = arith.addi %add3A_128, %add3A_129 : i32
          %dma_start3A_131 = arith.constant 0 : i32
          %dma_start3A_132 = tpu.memref_slice %arg6[%add3A_130, %dma_start3A_131] : memref<40x64xi32, #tpu.memory_space<vmem>> -> memref<1x64xi32, #tpu.memory_space<vmem>>
          %dma_start3A_133 = tpu.memref_squeeze %dma_start3A_132 : memref<1x64xi32, #tpu.memory_space<vmem>> -> memref<64xi32, #tpu.memory_space<vmem>>
          %dma_start3A_134 = arith.constant 0 : i32
          %dma_start3A_135 = arith.constant 0 : i32
          %dma_start3A_136 = tpu.memref_slice %arg2[%dma_start3A_134, %dma_start3A_135] : memref<10000x128xf32, #tpu.memory_space<hbm>> -> memref<10000x128xf32, #tpu.memory_space<hbm>>
          tpu.enqueue_indirect_dma source(%dma_start3A_136 : memref<10000x128xf32, #tpu.memory_space<hbm>>) target(%arg11 : memref<64x128xf32, #tpu.memory_space<vmem>>) offsets(%dma_start3A_133 : memref<64xi32, #tpu.memory_space<vmem>>) semaphore(%arg16 : memref<!tpu.dma_semaphore, #tpu.memory_space<semaphore_mem>>)
        } else {
        }
      }
      %scan3A_49 = arith.constant 10 : i32
    }
    %scan3A_6 = arith.constant 4 : i32
    %barrier3A_7 = arith.constant 0 : index
    tpu.barrier barrier_id(%barrier3A_7)
    "tpu.region"() ({
      %run_scoped3A = tpu.sem_alloc : memref<!tpu.dma_semaphore, #tpu.memory_space<semaphore_mem>>
      %dma_start3A = arith.constant 0 : i32
      %dma_start3A_8 = arith.constant 0 : i32
      %dma_start3A_9 = tpu.memref_slice %arg5[%arg0, %dma_start3A, %dma_start3A_8] : memref<2x10112x128xf32, #tpu.memory_space<hbm>> -> memref<1x10112x128xf32, #tpu.memory_space<hbm>>
      %dma_start3A_10 = tpu.memref_squeeze %dma_start3A_9 : memref<1x10112x128xf32, #tpu.memory_space<hbm>> -> memref<10112x128xf32, #tpu.memory_space<hbm>>
      %dma_start3A_11 = arith.constant 0 : i32
      %dma_start3A_12 = tpu.memref_slice %dma_start3A_10[%mul3A_2, %dma_start3A_11] : memref<10112x128xf32, #tpu.memory_space<hbm>> -> memref<632x128xf32, #tpu.memory_space<hbm>>
      %dma_start3A_13 = arith.constant 0 : i32
      %dma_start3A_14 = tpu.memref_slice %arg12[%mul3A_2, %dma_start3A_13] : memref<10112x128xf32, #tpu.memory_space<vmem_shared>> -> memref<632x128xf32, #tpu.memory_space<vmem_shared>>
      tpu.enqueue_dma source(%dma_start3A_14 : memref<632x128xf32, #tpu.memory_space<vmem_shared>>) target(%dma_start3A_12 : memref<632x128xf32, #tpu.memory_space<hbm>>) target_semaphore(%run_scoped3A : memref<!tpu.dma_semaphore, #tpu.memory_space<semaphore_mem>>)
      %dma_wait3A = arith.constant 0 : i32
      %dma_wait3A_15 = arith.constant 0 : i32
      %dma_wait3A_16 = tpu.memref_slice %arg5[%arg0, %dma_wait3A, %dma_wait3A_15] : memref<2x10112x128xf32, #tpu.memory_space<hbm>> -> memref<1x10112x128xf32, #tpu.memory_space<hbm>>
      %dma_wait3A_17 = tpu.memref_squeeze %dma_wait3A_16 : memref<1x10112x128xf32, #tpu.memory_space<hbm>> -> memref<10112x128xf32, #tpu.memory_space<hbm>>
      %dma_wait3A_18 = arith.constant 0 : i32
      %dma_wait3A_19 = tpu.memref_slice %dma_wait3A_17[%mul3A_2, %dma_wait3A_18] : memref<10112x128xf32, #tpu.memory_space<hbm>> -> memref<632x128xf32, #tpu.memory_space<hbm>>
      %dma_wait3A_20 = arith.constant 0 : i32
      %dma_wait3A_21 = tpu.memref_slice %arg12[%mul3A_2, %dma_wait3A_20] : memref<10112x128xf32, #tpu.memory_space<vmem_shared>> -> memref<632x128xf32, #tpu.memory_space<vmem_shared>>
      tpu.wait_dma2 semaphore(%run_scoped3A : memref<!tpu.dma_semaphore, #tpu.memory_space<semaphore_mem>>) src(%dma_wait3A_21 : memref<632x128xf32, #tpu.memory_space<vmem_shared>>) dst(%dma_wait3A_19 : memref<632x128xf32, #tpu.memory_space<hbm>>)
      tpu.yield
    }) : () -> ()
    return
  }
}

module attributes {stable_mosaic.version = 14 : i64} {
  func.func @_mm_body(%arg0: i32, %arg1: memref<1000x128xf32, #tpu.memory_space<vmem>>, %arg2: memref<128x128xf32, #tpu.memory_space<vmem>>, %arg3: memref<1000x128xf32, #tpu.memory_space<vmem>>) attributes {dimension_semantics = [#tpu.dimension_semantics<arbitrary>], iteration_bounds = array<i64: 10>, scalar_prefetch = 0 : i64, scratch_operands = 0 : i64, tpu.core_type = #tpu.core_type<tc>, window_params = [{transform_indices = @transform_0, window_bounds = array<i64: 1000, 128>}, {pipeline_mode = #tpu.pipeline_mode<synchronous>, transform_indices = @transform_1, window_bounds = array<i64: 128, 128>}, {transform_indices = @transform_2, window_bounds = array<i64: 1000, 128>}]} {
    %get3A = arith.constant 0 : index
    %get3A_0 = arith.constant 0 : index
    %get3A_1 = vector.load %arg1[%get3A, %get3A_0] : memref<1000x128xf32, #tpu.memory_space<vmem>>, vector<1000x128xf32>
    %get3A_2 = arith.constant 0 : index
    %get3A_3 = arith.constant 0 : index
    %get3A_4 = vector.load %arg2[%get3A_2, %get3A_3] : memref<128x128xf32, #tpu.memory_space<vmem>>, vector<128x128xf32>
    %dot_general3A = arith.constant dense<0.000000e+00> : vector<1000x128xf32>
    %dot_general3A_5 = tpu.matmul %get3A_1, %get3A_4, %dot_general3A {dimension_numbers = #tpu.dot_dimension_numbers<[1], [1], [0], [0], [0, 0, 1, 0], [], []>, transpose_lhs_hint = false} : vector<1000x128xf32>, vector<128x128xf32>, vector<1000x128xf32> -> vector<1000x128xf32>
    %swap3A = arith.constant 0 : index
    %swap3A_6 = arith.constant 0 : index
    %swap3A_7 = vector.load %arg3[%swap3A, %swap3A_6] : memref<1000x128xf32, #tpu.memory_space<vmem>>, vector<1000x128xf32>
    tpu.vector_store %arg3[%swap3A, %swap3A_6], %dot_general3A_5 {strides = array<i32>} : memref<1000x128xf32, #tpu.memory_space<vmem>>, vector<1000x128xf32>,
    return
  }
  func.func @transform_0(%arg0: i32) -> (i32, i32) {
    %c0_i32 = arith.constant 0 : i32
    %c0_i32_0 = arith.constant 0 : i32
    return %arg0, %c0_i32 : i32, i32
  }
  func.func @transform_1(%arg0: i32) -> (i32, i32) {
    %c0_i32 = arith.constant 0 : i32
    %c0_i32_0 = arith.constant 0 : i32
    %c0_i32_1 = arith.constant 0 : i32
    return %c0_i32, %c0_i32_0 : i32, i32
  }
  func.func @transform_2(%arg0: i32) -> (i32, i32) {
    %c0_i32 = arith.constant 0 : i32
    %c0_i32_0 = arith.constant 0 : i32
    return %arg0, %c0_i32 : i32, i32
  }
}

module attributes {stable_mosaic.version = 14 : i64} {
  func.func @_l2_body(%arg0: i32, %arg1: memref<2x1000x128xf32, #tpu.memory_space<vmem>>, %arg2: memref<1000x128xf32, #tpu.memory_space<vmem>>, %arg3: memref<1x128xf32, #tpu.memory_space<vmem>>, %arg4: memref<1000x128xf32, #tpu.memory_space<vmem>>) attributes {dimension_semantics = [#tpu.dimension_semantics<arbitrary>], iteration_bounds = array<i64: 10>, scalar_prefetch = 0 : i64, scratch_operands = 0 : i64, tpu.core_type = #tpu.core_type<tc>, window_params = [{transform_indices = @transform_0, window_bounds = array<i64: 2, 1000, 128>}, {transform_indices = @transform_1, window_bounds = array<i64: 1000, 128>}, {pipeline_mode = #tpu.pipeline_mode<synchronous>, transform_indices = @transform_2, window_bounds = array<i64: 1, 128>}, {transform_indices = @transform_3, window_bounds = array<i64: 1000, 128>}]} {
    %get3A = arith.constant 0 : index
    %get3A_0 = arith.constant 0 : index
    %get3A_1 = arith.constant 0 : index
    %get3A_2 = vector.load %arg1[%get3A, %get3A_0, %get3A_1] : memref<2x1000x128xf32, #tpu.memory_space<vmem>>, vector<1x1000x128xf32>
    %get3A_3 = vector.shape_cast %get3A_2 : vector<1x1000x128xf32> to vector<1000x128xf32>
    %get3A_4 = arith.constant 1 : index
    %get3A_5 = arith.constant 0 : index
    %get3A_6 = arith.constant 0 : index
    %get3A_7 = vector.load %arg1[%get3A_4, %get3A_5, %get3A_6] : memref<2x1000x128xf32, #tpu.memory_space<vmem>>, vector<1x1000x128xf32>
    %get3A_8 = vector.shape_cast %get3A_7 : vector<1x1000x128xf32> to vector<1000x128xf32>
    %add3A = arith.addf %get3A_3, %get3A_8 : vector<1000x128xf32>
    %get3A_9 = arith.constant 0 : index
    %get3A_10 = arith.constant 0 : index
    %get3A_11 = vector.load %arg2[%get3A_9, %get3A_10] : memref<1000x128xf32, #tpu.memory_space<vmem>>, vector<1000x128xf32>
    %add3A_12 = arith.addf %add3A, %get3A_11 : vector<1000x128xf32>
    %get3A_13 = arith.constant 0 : index
    %get3A_14 = arith.constant 0 : index
    %get3A_15 = vector.load %arg3[%get3A_13, %get3A_14] : memref<1x128xf32, #tpu.memory_space<vmem>>, vector<1x128xf32>
    %add3A_16 = vector.broadcast %get3A_15 : vector<1x128xf32> to vector<1000x128xf32>
    %add3A_17 = arith.addf %add3A_12, %add3A_16 : vector<1000x128xf32>
    %max3A = arith.constant 0.000000e+00 : f32
    %max3A_18 = vector.broadcast %max3A : f32 to vector<1000x128xf32>
    %max3A_19 = arith.maximumf %add3A_17, %max3A_18 : vector<1000x128xf32>
    %swap3A = arith.constant 0 : index
    %swap3A_20 = arith.constant 0 : index
    %swap3A_21 = vector.load %arg4[%swap3A, %swap3A_20] : memref<1000x128xf32, #tpu.memory_space<vmem>>, vector<1000x128xf32>
    tpu.vector_store %arg4[%swap3A, %swap3A_20], %max3A_19 {strides = array<i32>} : memref<1000x128xf32, #tpu.memory_space<vmem>>, vector<1000x128xf32>,
    return
  }
  func.func @transform_0(%arg0: i32) -> (i32, i32, i32) {
    %c0_i32 = arith.constant 0 : i32
    %c0_i32_0 = arith.constant 0 : i32
    %c0_i32_1 = arith.constant 0 : i32
    return %c0_i32, %arg0, %c0_i32_0 : i32, i32, i32
  }
  func.func @transform_1(%arg0: i32) -> (i32, i32) {
    %c0_i32 = arith.constant 0 : i32
    %c0_i32_0 = arith.constant 0 : i32
    return %arg0, %c0_i32 : i32, i32
  }
  func.func @transform_2(%arg0: i32) -> (i32, i32) {
    %c0_i32 = arith.constant 0 : i32
    %c0_i32_0 = arith.constant 0 : i32
    %c0_i32_1 = arith.constant 0 : i32
    return %c0_i32, %c0_i32_0 : i32, i32
  }
  func.func @transform_3(%arg0: i32) -> (i32, i32) {
    %c0_i32 = arith.constant 0 : i32
    %c0_i32_0 = arith.constant 0 : i32
    return %arg0, %c0_i32 : i32, i32
  }
}

module attributes {stable_mosaic.version = 14 : i64} {
  func.func @_mm_body(%arg0: i32, %arg1: memref<1000x128xf32, #tpu.memory_space<vmem>>, %arg2: memref<64x128xf32, #tpu.memory_space<vmem>>, %arg3: memref<1000x64xf32, #tpu.memory_space<vmem>>) attributes {dimension_semantics = [#tpu.dimension_semantics<arbitrary>], iteration_bounds = array<i64: 10>, scalar_prefetch = 0 : i64, scratch_operands = 0 : i64, tpu.core_type = #tpu.core_type<tc>, window_params = [{transform_indices = @transform_0, window_bounds = array<i64: 1000, 128>}, {pipeline_mode = #tpu.pipeline_mode<synchronous>, transform_indices = @transform_1, window_bounds = array<i64: 64, 128>}, {transform_indices = @transform_2, window_bounds = array<i64: 1000, 64>}]} {
    %get3A = arith.constant 0 : index
    %get3A_0 = arith.constant 0 : index
    %get3A_1 = vector.load %arg1[%get3A, %get3A_0] : memref<1000x128xf32, #tpu.memory_space<vmem>>, vector<1000x128xf32>
    %get3A_2 = arith.constant 0 : index
    %get3A_3 = arith.constant 0 : index
    %get3A_4 = vector.load %arg2[%get3A_2, %get3A_3] : memref<64x128xf32, #tpu.memory_space<vmem>>, vector<64x128xf32>
    %dot_general3A = arith.constant dense<0.000000e+00> : vector<1000x64xf32>
    %dot_general3A_5 = tpu.matmul %get3A_1, %get3A_4, %dot_general3A {dimension_numbers = #tpu.dot_dimension_numbers<[1], [1], [0], [0], [0, 0, 1, 0], [], []>, transpose_lhs_hint = false} : vector<1000x128xf32>, vector<64x128xf32>, vector<1000x64xf32> -> vector<1000x64xf32>
    %swap3A = arith.constant 0 : index
    %swap3A_6 = arith.constant 0 : index
    %swap3A_7 = vector.load %arg3[%swap3A, %swap3A_6] : memref<1000x64xf32, #tpu.memory_space<vmem>>, vector<1000x64xf32>
    tpu.vector_store %arg3[%swap3A, %swap3A_6], %dot_general3A_5 {strides = array<i32>} : memref<1000x64xf32, #tpu.memory_space<vmem>>, vector<1000x64xf32>,
    return
  }
  func.func @transform_0(%arg0: i32) -> (i32, i32) {
    %c0_i32 = arith.constant 0 : i32
    %c0_i32_0 = arith.constant 0 : i32
    return %arg0, %c0_i32 : i32, i32
  }
  func.func @transform_1(%arg0: i32) -> (i32, i32) {
    %c0_i32 = arith.constant 0 : i32
    %c0_i32_0 = arith.constant 0 : i32
    %c0_i32_1 = arith.constant 0 : i32
    return %c0_i32, %c0_i32_0 : i32, i32
  }
  func.func @transform_2(%arg0: i32) -> (i32, i32) {
    %c0_i32 = arith.constant 0 : i32
    %c0_i32_0 = arith.constant 0 : i32
    return %arg0, %c0_i32 : i32, i32
  }
}

module attributes {stable_mosaic.version = 14 : i64} {
  func.func @_final_body(%arg0: i32, %arg1: memref<2x1000x128xf32, #tpu.memory_space<vmem>>, %arg2: memref<1000x64xf32, #tpu.memory_space<vmem>>, %arg3: memref<64x128xf32, #tpu.memory_space<vmem>>, %arg4: memref<1x64xf32, #tpu.memory_space<vmem>>, %arg5: memref<1000x64xf32, #tpu.memory_space<vmem>>) attributes {dimension_semantics = [#tpu.dimension_semantics<arbitrary>], iteration_bounds = array<i64: 10>, scalar_prefetch = 0 : i64, scratch_operands = 0 : i64, tpu.core_type = #tpu.core_type<tc>, window_params = [{transform_indices = @transform_0, window_bounds = array<i64: 2, 1000, 128>}, {transform_indices = @transform_1, window_bounds = array<i64: 1000, 64>}, {pipeline_mode = #tpu.pipeline_mode<synchronous>, transform_indices = @transform_2, window_bounds = array<i64: 64, 128>}, {pipeline_mode = #tpu.pipeline_mode<synchronous>, transform_indices = @transform_3, window_bounds = array<i64: 1, 64>}, {transform_indices = @transform_4, window_bounds = array<i64: 1000, 64>}]} {
    %get3A = arith.constant 0 : index
    %get3A_0 = arith.constant 0 : index
    %get3A_1 = arith.constant 0 : index
    %get3A_2 = vector.load %arg1[%get3A, %get3A_0, %get3A_1] : memref<2x1000x128xf32, #tpu.memory_space<vmem>>, vector<1x1000x128xf32>
    %get3A_3 = vector.shape_cast %get3A_2 : vector<1x1000x128xf32> to vector<1000x128xf32>
    %get3A_4 = arith.constant 1 : index
    %get3A_5 = arith.constant 0 : index
    %get3A_6 = arith.constant 0 : index
    %get3A_7 = vector.load %arg1[%get3A_4, %get3A_5, %get3A_6] : memref<2x1000x128xf32, #tpu.memory_space<vmem>>, vector<1x1000x128xf32>
    %get3A_8 = vector.shape_cast %get3A_7 : vector<1x1000x128xf32> to vector<1000x128xf32>
    %add3A = arith.addf %get3A_3, %get3A_8 : vector<1000x128xf32>
    %get3A_9 = arith.constant 0 : index
    %get3A_10 = arith.constant 0 : index
    %get3A_11 = vector.load %arg3[%get3A_9, %get3A_10] : memref<64x128xf32, #tpu.memory_space<vmem>>, vector<64x128xf32>
    %dot_general3A = arith.constant dense<0.000000e+00> : vector<1000x64xf32>
    %dot_general3A_12 = tpu.matmul %add3A, %get3A_11, %dot_general3A {dimension_numbers = #tpu.dot_dimension_numbers<[1], [1], [0], [0], [0, 0, 1, 0], [], []>, transpose_lhs_hint = false} : vector<1000x128xf32>, vector<64x128xf32>, vector<1000x64xf32> -> vector<1000x64xf32>
    %get3A_13 = arith.constant 0 : index
    %get3A_14 = arith.constant 0 : index
    %get3A_15 = vector.load %arg2[%get3A_13, %get3A_14] : memref<1000x64xf32, #tpu.memory_space<vmem>>, vector<1000x64xf32>
    %add3A_16 = arith.addf %dot_general3A_12, %get3A_15 : vector<1000x64xf32>
    %get3A_17 = arith.constant 0 : index
    %get3A_18 = arith.constant 0 : index
    %get3A_19 = vector.load %arg4[%get3A_17, %get3A_18] : memref<1x64xf32, #tpu.memory_space<vmem>>, vector<1x64xf32>
    %add3A_20 = vector.broadcast %get3A_19 : vector<1x64xf32> to vector<1000x64xf32>
    %add3A_21 = arith.addf %add3A_16, %add3A_20 : vector<1000x64xf32>
    %reduce_max3A = arith.constant dense<0xFF800000> : vector<1000xf32>
    %reduce_max3A_22 = vector.multi_reduction <maximumf>, %add3A_21, %reduce_max3A [1] : vector<1000x64xf32> to vector<1000xf32>
    %broadcast_in_dim3A = vector.shape_cast %reduce_max3A_22 : vector<1000xf32> to vector<1000x1xf32>
    %sub3A = vector.broadcast %broadcast_in_dim3A : vector<1000x1xf32> to vector<1000x64xf32>
    %sub3A_23 = arith.subf %add3A_21, %sub3A : vector<1000x64xf32>
    %exp3A = math.exp %sub3A_23 : vector<1000x64xf32>
    %reduce_sum3A = arith.constant dense<0.000000e+00> : vector<1000xf32>
    %reduce_sum3A_24 = vector.multi_reduction <add>, %exp3A, %reduce_sum3A [1] : vector<1000x64xf32> to vector<1000xf32>
    %broadcast_in_dim3A_25 = vector.shape_cast %reduce_sum3A_24 : vector<1000xf32> to vector<1000x1xf32>
    %log3A = math.log %broadcast_in_dim3A_25 : vector<1000x1xf32>
    %add3A_26 = arith.addf %log3A, %broadcast_in_dim3A : vector<1000x1xf32>
    %sub3A_27 = vector.broadcast %add3A_26 : vector<1000x1xf32> to vector<1000x64xf32>
    %sub3A_28 = arith.subf %add3A_21, %sub3A_27 : vector<1000x64xf32>
    %swap3A = arith.constant 0 : index
    %swap3A_29 = arith.constant 0 : index
    %swap3A_30 = vector.load %arg5[%swap3A, %swap3A_29] : memref<1000x64xf32, #tpu.memory_space<vmem>>, vector<1000x64xf32>
    tpu.vector_store %arg5[%swap3A, %swap3A_29], %sub3A_28 {strides = array<i32>} : memref<1000x64xf32, #tpu.memory_space<vmem>>, vector<1000x64xf32>,
    return
  }
  func.func @transform_0(%arg0: i32) -> (i32, i32, i32) {
    %c0_i32 = arith.constant 0 : i32
    %c0_i32_0 = arith.constant 0 : i32
    %c0_i32_1 = arith.constant 0 : i32
    return %c0_i32, %arg0, %c0_i32_0 : i32, i32, i32
  }
  func.func @transform_1(%arg0: i32) -> (i32, i32) {
    %c0_i32 = arith.constant 0 : i32
    %c0_i32_0 = arith.constant 0 : i32
    return %arg0, %c0_i32 : i32, i32
  }
  func.func @transform_2(%arg0: i32) -> (i32, i32) {
    %c0_i32 = arith.constant 0 : i32
    %c0_i32_0 = arith.constant 0 : i32
    %c0_i32_1 = arith.constant 0 : i32
    return %c0_i32, %c0_i32_0 : i32, i32
  }
  func.func @transform_3(%arg0: i32) -> (i32, i32) {
    %c0_i32 = arith.constant 0 : i32
    %c0_i32_0 = arith.constant 0 : i32
    %c0_i32_1 = arith.constant 0 : i32
    return %c0_i32, %c0_i32_0 : i32, i32
  }
  func.func @transform_4(%arg0: i32) -> (i32, i32) {
    %c0_i32 = arith.constant 0 : i32
    %c0_i32_0 = arith.constant 0 : i32
    return %arg0, %c0_i32 : i32, i32
  }
}

</mosaic_0001>

<sc_bundles>
// kernel: kernel.12.cloned.1.call-start
scs
__scs_entry_jumppad:
0x0: {  	(pc) =	sbr.rel $0x88, $3  }
0x1: {  	(tag) =	ssettag $0x0;
	lr =	simm.s32 $0x1  }
0x2: {  	[smem:$0x3F99] =	sst lr;
	_ =	strace $0xD0000000  }
0x3: {  	_ = 	snop  }
0x4: {  	_ = 	snop  }
0x5: {  	_ = 	snop  }
0x6: {  	_ = 	snop  }
0x7: {  	_ = 	snop  }
__scs_overlays_trampoline_lowered:
0x8: {  	[smem:$0x3FA8] =	sst s0  }
0x9: {  	[smem:$0x3FA9] =	sst s1  }
0xa: {  	[smem:$0x3FAA] =	sst s2  }
0xb: {  	[smem:$0x3FAB] =	sst s3  }
0xc: {  	[smem:$0x3FAC] =	sst s4  }
0xd: {  	[smem:$0x3FAD] =	sst s5  }
0xe: {  	[smem:$0x3FAE] =	sst s6  }
0xf: {  	[smem:$0x3FAF] =	sst s7  }
0x10: {  	[smem:$0x3FB0] =	sst s8  }
0x11: {  	[smem:$0x3FB1] =	sst s9;
	s0 =	simm.s32 @!p0 $0x0  }
0x12: {  	s1 =	sld [smem:$0x3F97];
	s0 =	simm.s32 @p0 $0x1  }
0x13: {  	[smem:$0x3FB2] =	sst s0;
	s0 =	simm.s32 @!p1 $0x0  }
0x14: {  	s2 =	sld [smem:$0x3F96];
	s0 =	simm.s32 @p1 $0x1  }
0x15: {  	[smem:$0x3FB3] =	sst s0;
	s0 =	simm.s32 @!p2 $0x0  }
0x16: {  	s3 =	sld [smem:$0x3FDB];
	s0 =	simm.s32 @p2 $0x1  }
0x17: {  	s4 =	simm.s32 $0x1BF5;
	[smem:$0x3FB5] =	sst s0  }
0x18: {  	s0 =	sld [smem:$0x3F98];
	_ =	swait.ge [sflag:s4], $0x0  }
0x19: {  	s7 =	sld [smem:$0x3F99]  }
0x1a: {  	s8 =	sadd.s32 $0xFFFFE003, lr  }
0x1b: {  	s9 =	sadd.s32 $0xFFFFFEF7, lr;
	s5 =	simm.s32 $0xFFFFFFFF;
	p2 =	slt.u32 s8, $0xFFFFF086  }
0x1c: {  	p1 =	slt.u32 s9, $0xF7A;
	s5 =	simm.s32 @!p2 $0x0  }
0x1d: {  	s5 =	simm.s32 @p1 $0x1;
	p0 =	seq.s32 s7, s2  }
0x1e: {  	s7 =	smul.u32 @!p0 $0xF7A, s2;
	p2 =	seq.s32 @!p0 s5, $0x0  }
0x1f: {  	s9 =	smul.u32 $0xF7A, s1;
	s8 =	simm.s32 @!p0 $0x1BF5;
	p2 =	por !p2, p0  }
0x20: {  	[sflag:s8] =	ssyncset.s32 @!p0 $0xFFFFF086;
	s6 =	sadd.s32 @!p0 s3, s7;
	s7 =	simm.s32 @!p0 $0x108  }
0x21: {  	s3 =	sadd.s32 s3, s9;
	s6 =	sadd.s32 @!p0 $0x88, s6;
	s7 =	simm.s32 @p2 $0x1082  }
0x22: {  	[simem:s7], [sflag:s8] =	dma.local @!p0 [hbm:s6], $0xF7A  }
0x23: {  	s9 =	sor.u32 $0xD0000000, s2;
	s6 =	simm.s32 $0x108;
	_ =	swait.ge @!p0 [sflag:s8], $0x0  }
0x24: {  	s3 =	sadd.s32 $0x88, s3;
	s6 =	simm.s32 @!p1 $0x1082;
	[sflag:s4] =	ssyncset.s32 $0xFFFFF086  }
0x25: {  	[simem:s6], [sflag:s4] =	dma.local [hbm:s3], $0xF7A  }
0x26: {  	[smem:$0x3F99] =	sst s1;
	(tag) =	ssettag s2;
	_ =	strace s9  }
0x27: {  	s1 =	sld [smem:$0x3FA9]  }
0x28: {  	s2 =	sld [smem:$0x3FAA]  }
0x29: {  	s4 =	sld [smem:$0x3FAC]  }
0x2a: {  	p0 =	seq.s32 s5, $0x0;
	s5 =	sld [smem:$0x3FAD]  }
0x2b: {  	s6 =	sld [smem:$0x3FAE]  }
0x2c: {  	s7 =	sld [smem:$0x3FAF]  }
0x2d: {  	s3 =	simm.s32 $0x108;
	s8 =	sld [smem:$0x3FB0]  }
0x2e: {  	s3 =	simm.s32 @!p0 $0x1082;
	s9 =	sld [smem:$0x3FB1]  }
0x2f: {  	lr =	sadd.s32 s0, s3;
	s0 =	sld [smem:$0x3FA8]  }
0x30: {  	s3 =	sld [smem:$0x3FAB]  }
0x31: {  	[smem:$0x3FB4] =	sst s10  }
0x32: {  	s10 =	sld [smem:$0x3FB2];
	_ =	sdelay $0x3  }
0x33: {  	p0 =	seq.s32 s10, $0x1;
	s10 =	sld [smem:$0x3FB4];
	_ =	sdelay $0x3  }
0x34: {  	[smem:$0x3FB4] =	sst s10  }
0x35: {  	s10 =	sld [smem:$0x3FB3];
	_ =	sdelay $0x3  }
0x36: {  	p1 =	seq.s32 s10, $0x1;
	s10 =	sld [smem:$0x3FB4];
	_ =	sdelay $0x3  }
0x37: {  	[smem:$0x3FB4] =	sst s10  }
0x38: {  	s10 =	sld [smem:$0x3FB5]  }
0x39: {  	_ = 	snop;
	(pc) =	sbr.ind lr, $3  }
0x3a: {  	_ = 	snop  }
0x3b: {  	_ = 	snop  }
0x3c: {  	p2 =	seq.s32 s10, $0x1;
	s10 =	sld [smem:$0x3FB4]  }
0x3d: {  	_ =	shalt  }
0x3e: {  	_ =	shalt  }
0x3f: {  	_ =	shalt  }
0x40: {  	_ =	shalt  }
0x41: {  	_ =	shalt  }
0x42: {  	_ =	shalt  }
0x43: {  	_ =	shalt  }
0x44: {  	_ =	shalt  }
0x45: {  	_ =	shalt  }
0x46: {  	_ =	shalt  }
0x47: {  	_ =	shalt  }
0x48: {  	_ =	shalt  }
0x49: {  	_ =	shalt  }
0x4a: {  	_ =	shalt  }
0x4b: {  	_ =	shalt  }
0x4c: {  	_ =	shalt  }
0x4d: {  	_ =	shalt  }
0x4e: {  	_ =	shalt  }
0x4f: {  	_ =	shalt  }
0x50: {  	_ =	shalt  }
0x51: {  	_ =	shalt  }
0x52: {  	_ =	shalt  }
0x53: {  	_ =	shalt  }
0x54: {  	_ =	shalt  }
0x55: {  	_ =	shalt  }
0x56: {  	_ =	shalt  }
0x57: {  	_ =	shalt  }
0x58: {  	_ =	shalt  }
0x59: {  	_ =	shalt  }
0x5a: {  	_ =	shalt  }
0x5b: {  	_ =	shalt  }
0x5c: {  	_ =	shalt  }
0x5d: {  	_ =	shalt  }
0x5e: {  	_ =	shalt  }
0x5f: {  	_ =	shalt  }
0x60: {  	_ =	shalt  }
0x61: {  	_ =	shalt  }
0x62: {  	_ =	shalt  }
0x63: {  	_ =	shalt  }
0x64: {  	_ =	shalt  }
0x65: {  	_ =	shalt  }
0x66: {  	_ =	shalt  }
0x67: {  	_ =	shalt  }
0x68: {  	_ =	shalt  }
0x69: {  	_ =	shalt  }
0x6a: {  	_ =	shalt  }
0x6b: {  	_ =	shalt  }
0x6c: {  	_ =	shalt  }
0x6d: {  	_ =	shalt  }
0x6e: {  	_ =	shalt  }
0x6f: {  	_ =	shalt  }
0x70: {  	_ =	shalt  }
0x71: {  	_ =	shalt  }
0x72: {  	_ =	shalt  }
0x73: {  	_ =	shalt  }
0x74: {  	_ =	shalt  }
0x75: {  	_ =	shalt  }
0x76: {  	_ =	shalt  }
0x77: {  	_ =	shalt  }
0x78: {  	_ =	shalt  }
0x79: {  	_ =	shalt  }
0x7a: {  	_ =	shalt  }
0x7b: {  	_ =	shalt  }
0x7c: {  	_ =	shalt  }
0x7d: {  	_ =	shalt  }
0x7e: {  	_ =	shalt  }
0x7f: {  	_ =	shalt  }
0x80: {  	_ =	shalt  }
0x81: {  	_ =	shalt  }
0x82: {  	_ =	shalt  }
0x83: {  	_ =	shalt  }
0x84: {  	_ =	shalt  }
0x85: {  	_ =	shalt  }
0x86: {  	_ =	shalt  }
0x87: {  	_ =	shalt  }
.Lfunc_end0:
.L_simem_size_0:
called_computation.1_lowered:
.L_overlay_start_0:
0x88: {  	s2 =	sld [smem:$0x3FD9]  }
0x89: {  	s3 =	sld [smem:$0x3FFE];
	_ =	sdelay $0x1  }
0x8a: {  	s1 =	srdreg.scid  }
0x8b: {  	s0 =	sand.u32 $0x1, s1  }
0x8c: {  	s17 =	sshll.u32 s0, $0xA;
	s2 =	sadd.s32 s3, s2  }
0x8d: {  	s2 =	sadd.s32 s2, s17  }
0x8e: {  	[smem:$0x3FC0] =	sst s2  }
0x8f: {  	_ = 	snop  }
0x90: {  	s2 =	sld [smem:$0x3FD0];
	(tm) =	ssettm $0x1  }
0x91: {  	s18 =	sld [smem:$0x3FFB];
	_ =	sdelay $0x3  }
0x92: {  	_ =	strace s18  }
0x93: {  	s3 =	sld [smem:$0x3FFC];
	_ =	sdelay $0x3  }
0x94: {  	_ =	strace s3  }
0x95: {  	s3 =	sld [smem:$0x3FFD];
	_ =	sdelay $0x3  }
0x96: {  	_ =	strace s3  }
0x97: {  	_ =	strace $0x8FFFFFFF  }
0x98: {  	s19 =	sld [smem:$0x3FDB];
	_ =	sdelay $0x1  }
0x99: {  	s4 =	simm.s32 $_scs_section_size  }
0x9a: {  	s5 =	simm.s32 $_size__tile_overlayer_lowered;
	s6 =	simm.s32 $_tile_overlayer_lowered  }
0x9b: {  	s22 =	simm.s32 $0x1BFF;
	s21 =	sshll.u32 s6, $0x1;
	s3 =	sadd.s32 s4, s19  }
0x9c: {  	s7 =	simm.s32 $0x0;
	s20 =	sshll.u32 s5, $0x1;
	s5 =	sadd.s32 s21, s3  }
0x9d: {  	[timem:s7], [sflag:s22] =	dma.local [hbm:s5], s20  }
0x9e: {  	_ =	swait.ge [sflag:s22], s20  }
0x9f: {  	s4 =	ssub.s32 $0x0, s20;
	[sflag:s22] =	ssyncset.done $0x0  }
0xa0: {  	[sflag:s22] =	ssyncadd.s32 s4;
	_ =	sdelay $0x1  }
0xa1: {  	s23 =	simm.s32 $0x1B8B  }
0xa2: {  	_ =	swait.ge [sflag:s23], $0x1  }
0xa3: {  	[sflag:s23] =	ssyncset.done $0x0  }
0xa4: {  	s25 =	simm.s32 $0x1B8E;
	s24 =	sld [smem:$0x3FFE];
	[sflag:s23] =	ssyncadd.s32 $0xFFFFFFFF  }
0xa5: {  	s26 =	simm.s32 $execute0_lowered;
	[smem:$0x3FD2] =	sst s25  }
0xa6: {  	s5 =	sshll.u32 s26, $0x1;
	_ =	strace $0x80000049;
	[dreg:$0x1] =	wrdreg $0xFFFFFFFF  }
0xa7: {  	s28 =	simm.s32 $_size_execute0_lowered;
	s3 =	sadd.s32 s3, s5;
	[dreg:$0x0] =	wrdreg $0x0  }
0xa8: {  	s5 =	sshll.u32 s28, $0x1;
	[dreg:$0x2] =	wrdreg s3  }
0xa9: {  	[dreg:$0x3] =	wrdreg s5  }
0xaa: {  	[dreg:$0x4] =	wrdreg $0xC0  }
0xab: {  	_ =	task [dreg:s7], $0x5FFFF  }
0xac: {  	[dreg:$0x1] =	wrdreg $0xFFFFFFFF  }
0xad: {  	[dreg:$0x0] =	wrdreg $0x60  }
0xae: {  	[dreg:$0x2] =	wrdreg s24  }
0xaf: {  	[dreg:$0x3] =	wrdreg s2  }
0xb0: {  	[dreg:$0x4] =	wrdreg $0xA8000  }
0xb1: {  	[dreg:$0x5] =	wrdreg $0x9  }
0xb2: {  	_ =	task.clear_ibuf [dreg:s7], $0x6FFFF;
	_ =	strace $0x90000049  }
0xb3: {  	s29 =	simm.s32 $0x9;
	_ =	strace $0x8000004B  }
0xb4: {  	_ =	swait.ge [sflag:s29], $0x1  }
0xb5: {  	[sflag:s29] =	ssyncadd.s32 $0xFFFFFFFF  }
0xb6: {  	_ =	strace $0x9000004B  }
0xb7: {  	_ =	sfence  }
0xb8: {  	s30 =	sld [smem:$0x0];
	_ =	sdelay $0x2  }
0xb9: {  	s31 =	sshll.u32 s1, $0xD;
	s1 =	sshrl.u32 s1, $0x2  }
0xba: {  	s3 =	sand.u32 $0x4000, s31;
	s1 =	sadd.s32 s1, s30  }
0xbb: {  	s0 =	sor.u32 s3, s0;
	s1 =	sshll.u32 s1, $0x11  }
0xbc: {  	s0 =	sor.u32 s1, s0  }
0xbd: {  	s0 =	sadd.s32 $0x8F2B, s0  }
0xbe: {  	[sflag:s0] =	ssyncadd.remote.s32 $0x1  }
0xbf: {  	_ =	sfence.sel $0xFFFF  }
0xc0: {  	[dreg:$0x0] =	wrdreg $0xFFFFFFFF;
	(pc) =	sbr.abs _section_cstart, $3  }
0xc1: {  	[dreg:$0x1] =	wrdreg $0xFFFFFFFF  }
0xc2: {  	_ =	task.clear_ibuf [dreg:s7], $0x2FFFF;
	_ =	strace $0x9FFFFFFF  }
0xc3: {  	(tm) =	ssettm $0x7FFFFFFF  }
tec
execute0_lowered:
.L_overlay_start_1:
0x0: {  	(tag) =	ssettag $0x1  }
0x1: {  	s0 =	rddreg [dreg:$0x0];
	s1 =	srdreg.scid  }
0x2: {  	s2 =	stileid.u32;
	s3 =	rddreg [dreg:$0x2]  }
0x3: {  	s12 =	simm.s32 $0x1400;
	s13 =	simm.s32 $0x40;
	s14 =	simm.s32 $0x2800  }
0x4: {  	s15 =	simm.s32 $0x80;
	s16 =	simm.s32 $0x4800;
	s17 =	simm.s32 $0x100  }
0x5: {  	s18 =	simm.s32 $0x6800;
	s19 =	simm.s32 $0x180;
	s20 =	simm.s32 $0x8800  }
0x6: {  	s21 =	simm.s32 $0x1;
	s22 =	simm.s32 $0x2;
	s23 =	simm.s32 $0x3  }
0x7: {  	s28 =	simm.s32 $0x2680;
	s29 =	simm.s32 $0x2700;
	s30 =	simm.s32 $0x2780  }
0x8: {  	s1 =	sand.u32 $0x1, s1;
	s4 =	sshll.u32 s2, $0x1;
	s7 =	smul.u32 $0x4F000, s2  }
0x9: {  	s31 =	sshll.u32 s2, $0x6;
	s25 =	smul.u32 $0x2780, s2;
	s5 =	sor.u32 s1, s4  }
0xa: {  	s4 =	simm.s32 $0x0;
	s6 =	smul.u32 $0x27800, s1;
	s1 =	ssub.s32 $0x2, s1  }
0xb: {  	s11 =	smul.u32 $0xA00, s5;
	[smem:$0x7FF] =	sst s4;
	s5 =	sadd.s32 $0x2A600, s0  }
0xc: {  	s26 =	sshrl.u32 s1, $0x1;
	s7 =	sshrl.u32 s7, $0x2;
	_ =	strace $0x8000004A  }
0xd: {  	s9 =	sadd.s32 s6, s0;
	s1 =	ssub.s32 s1, s26;
	s10 =	sadd.s32 s7, s3  }
0xe: {  	s6 =	sor.u32 $0x1C05, s31;
	s26 =	simm.s32 $0x2600;
	s8 =	sadd.s32 s11, s0  }
0xf: {  	s0 =	sadd.s32 $0x16600, s0;
	s24 =	sadd.s32 $0x51800, s9;
	s9 =	sshrl.u32 s10, $0x3  }
0x10: {  	s10 =	simm.s32 $0x5;
	s7 =	sadd.s32 $0x2600, s8;
	s8 =	smax.u32 s1, $0x1  }
0x11: {  	s11 =	sadd.s32 s11, s0;
	s24 =	sadd.s32 s25, s24;
	s25 =	simm.s32 $0x4  }
.LBB2_1:
0x12: {  	s0 =	rddreg [dreg:$0x1]  }
0x13: {  	[spmem:s9], [sflag:s6] =	dma.local [hbm:s0], $0x2780  }
0x14: {  	_ =	swait.ge [sflag:s10], $0x2780  }
0x15: {  	[sflag:s10] =	ssyncset.done $0x0  }
0x16: {  	[sflag:s10] =	ssyncadd.s32 $0xFFFFD880  }
0x17: {  	s31 =	simm.s32 $0x0;
	[bflag:$0x0] =	sbarrier.arrive $0xFFFF  }
.LBB2_2:
0x18: {  	s0 =	smul.u32 $0x280, s31;
	_ =	sdelay $0x1  }
0x19: {  	s2 =	simm.s32 $0x0;
	s1 =	sadd.s32 s0, s7  }
0x1a: {  	[tilespmem:s2], [sflag:$0x5] =	stream.linear.gather [hbm4b:s1+s2], $0x1400, $0x38;
	[tilespmem:$0x1E400] =	vst v63  }
0x1b: {  	_ =	swait.ge [sflag:s10], $0x1400  }
0x1c: {  	[sflag:s10] =	ssyncset.done $0x0  }
0x1d: {  	s0 =	sadd.s32 s0, s11;
	[sflag:s10] =	ssyncadd.s32 $0xFFFFEC00  }
0x1e: {  	[tilespmem:s12], [sflag:$0x5] =	stream.linear.gather [hbm4b:s0+s2], $0x1400, $0x38;
	[tilespmem:$0x1E400] =	vst v63  }
0x1f: {  	_ =	swait.ge [sflag:s10], $0x1400  }
0x20: {  	[sflag:s10] =	ssyncset.done $0x0  }
0x21: {  	[sflag:s10] =	ssyncadd.s32 $0xFFFFEC00  }
0x22: {  	[tilespmem:s14], [sflag:$0x1] =	stream.indirect.gather [hbm4b:s5+s13], $0x80, s2, s13, $0xb8;
	[tilespmem:$0x1E400] =	vst v63  }
0x23: {  	_ = 	snop  }
0x24: {  	[tilespmem:s16], [sflag:$0x2] =	stream.indirect.gather [hbm4b:s5+s13], $0x80, s15, s13, $0xb8;
	[tilespmem:$0x1E400] =	vst v63  }
0x25: {  	_ = 	snop  }
0x26: {  	[tilespmem:s18], [sflag:$0x3] =	stream.indirect.gather [hbm4b:s5+s13], $0x80, s17, s13, $0xb8;
	[tilespmem:$0x1E400] =	vst v63  }
0x27: {  	_ = 	snop  }
0x28: {  	[tilespmem:s20], [sflag:$0x4] =	stream.indirect.gather [hbm4b:s5+s13], $0x80, s19, s13, $0xb8;
	[tilespmem:$0x1E400] =	vst v63  }
0x29: {  	_ =	swait.ge [sflag:s21], $0x2000  }
0x2a: {  	[sflag:s21] =	ssyncset.done $0x0  }
0x2b: {  	s2 =	simm.s32 $0x1400;
	[sflag:s21] =	ssyncadd.s32 $0xFFFFE000  }
0x2c: {  	[spmem:s3] =	stream.indirect.scatter.add.f32 [tilespmem:s14], [sflag:$0x5], $0x80, s2, s13, $0xb8;
	[tilespmem:$0x1E400] =	vst v63  }
0x2d: {  	_ =	swait.ge [sflag:s10], $0x2000  }
0x2e: {  	[sflag:s10] =	ssyncset.done $0x0  }
0x2f: {  	s1 =	simm.s32 $0x200;
	[sflag:s10] =	ssyncadd.s32 $0xFFFFE000  }
0x30: {  	[tilespmem:s14], [sflag:$0x1] =	stream.indirect.gather [hbm4b:s5+s13], $0x80, s1, s13, $0xb8;
	[tilespmem:$0x1E400] =	vst v63  }
0x31: {  	_ =	swait.ge [sflag:s22], $0x2000  }
0x32: {  	[sflag:s22] =	ssyncset.done $0x0  }
0x33: {  	s2 =	simm.s32 $0x1480;
	[sflag:s22] =	ssyncadd.s32 $0xFFFFE000  }
0x34: {  	[spmem:s3] =	stream.indirect.scatter.add.f32 [tilespmem:s16], [sflag:$0x5], $0x80, s2, s13, $0xb8;
	[tilespmem:$0x1E400] =	vst v63  }
0x35: {  	_ =	swait.ge [sflag:s10], $0x2000  }
0x36: {  	[sflag:s10] =	ssyncset.done $0x0  }
0x37: {  	s1 =	simm.s32 $0x280;
	[sflag:s10] =	ssyncadd.s32 $0xFFFFE000  }
0x38: {  	[tilespmem:s16], [sflag:$0x2] =	stream.indirect.gather [hbm4b:s5+s13], $0x80, s1, s13, $0xb8;
	[tilespmem:$0x1E400] =	vst v63  }
0x39: {  	_ =	swait.ge [sflag:s23], $0x2000  }
0x3a: {  	[sflag:s23] =	ssyncset.done $0x0  }
0x3b: {  	s2 =	simm.s32 $0x1500;
	[sflag:s23] =	ssyncadd.s32 $0xFFFFE000  }
0x3c: {  	[spmem:s3] =	stream.indirect.scatter.add.f32 [tilespmem:s18], [sflag:$0x5], $0x80, s2, s13, $0xb8;
	[tilespmem:$0x1E400] =	vst v63  }
0x3d: {  	_ =	swait.ge [sflag:s10], $0x2000  }
0x3e: {  	[sflag:s10] =	ssyncset.done $0x0  }
0x3f: {  	s1 =	simm.s32 $0x300;
	[sflag:s10] =	ssyncadd.s32 $0xFFFFE000  }
0x40: {  	[tilespmem:s18], [sflag:$0x3] =	stream.indirect.gather [hbm4b:s5+s13], $0x80, s1, s13, $0xb8;
	[tilespmem:$0x1E400] =	vst v63  }
0x41: {  	_ =	swait.ge [sflag:s25], $0x2000  }
0x42: {  	[sflag:s25] =	ssyncset.done $0x0  }
0x43: {  	s2 =	simm.s32 $0x1580;
	[sflag:s25] =	ssyncadd.s32 $0xFFFFE000  }
0x44: {  	[spmem:s3] =	stream.indirect.scatter.add.f32 [tilespmem:s20], [sflag:$0x5], $0x80, s2, s13, $0xb8;
	[tilespmem:$0x1E400] =	vst v63  }
0x45: {  	_ =	swait.ge [sflag:s10], $0x2000  }
0x46: {  	[sflag:s10] =	ssyncset.done $0x0  }
0x47: {  	s0 =	simm.s32 $0x380;
	s1 =	simm.s32 $0x800;
	[sflag:s10] =	ssyncadd.s32 $0xFFFFE000  }
.LBB2_3:
0x48: {  	[tilespmem:s20], [sflag:$0x4] =	stream.indirect.gather [hbm4b:s5+s13], $0x80, s0, s13, $0xb8;
	[tilespmem:$0x1E400] =	vst v63  }
0x49: {  	s0 =	smov.u32 s1  }
0x4a: {  	p0 =	sne.s32 s1, $0x4000;
	s1 =	sadd.s32 $0x800, s1;
	_ =	swait.ge [sflag:s21], $0x2000  }
0x4b: {  	s0 =	sshra.s32 s0, $0x2;
	[sflag:s21] =	ssyncset.done $0x0  }
0x4c: {  	s2 =	sadd.s32 $0x1400, s0;
	[sflag:s21] =	ssyncadd.s32 $0xFFFFE000  }
0x4d: {  	[spmem:s3] =	stream.indirect.scatter.add.f32 [tilespmem:s14], [sflag:$0x5], $0x80, s2, s13, $0xb8;
	[tilespmem:$0x1E400] =	vst v63  }
0x4e: {  	_ =	swait.ge [sflag:s10], $0x2000  }
0x4f: {  	[sflag:s10] =	ssyncset.done $0x0  }
0x50: {  	s2 =	sadd.s32 $0x200, s0;
	[sflag:s10] =	ssyncadd.s32 $0xFFFFE000  }
0x51: {  	[tilespmem:s14], [sflag:$0x1] =	stream.indirect.gather [hbm4b:s5+s13], $0x80, s2, s13, $0xb8;
	[tilespmem:$0x1E400] =	vst v63  }
0x52: {  	_ =	swait.ge [sflag:s22], $0x2000  }
0x53: {  	[sflag:s22] =	ssyncset.done $0x0  }
0x54: {  	s2 =	sadd.s32 $0x1480, s0;
	[sflag:s22] =	ssyncadd.s32 $0xFFFFE000  }
0x55: {  	[spmem:s3] =	stream.indirect.scatter.add.f32 [tilespmem:s16], [sflag:$0x5], $0x80, s2, s13, $0xb8;
	[tilespmem:$0x1E400] =	vst v63  }
0x56: {  	_ =	swait.ge [sflag:s10], $0x2000  }
0x57: {  	[sflag:s10] =	ssyncset.done $0x0  }
0x58: {  	s2 =	sadd.s32 $0x280, s0;
	[sflag:s10] =	ssyncadd.s32 $0xFFFFE000  }
0x59: {  	[tilespmem:s16], [sflag:$0x2] =	stream.indirect.gather [hbm4b:s5+s13], $0x80, s2, s13, $0xb8;
	[tilespmem:$0x1E400] =	vst v63  }
0x5a: {  	_ =	swait.ge [sflag:s23], $0x2000  }
0x5b: {  	[sflag:s23] =	ssyncset.done $0x0  }
0x5c: {  	s2 =	sadd.s32 $0x1500, s0;
	[sflag:s23] =	ssyncadd.s32 $0xFFFFE000  }
0x5d: {  	[spmem:s3] =	stream.indirect.scatter.add.f32 [tilespmem:s18], [sflag:$0x5], $0x80, s2, s13, $0xb8;
	[tilespmem:$0x1E400] =	vst v63  }
0x5e: {  	_ =	swait.ge [sflag:s10], $0x2000  }
0x5f: {  	[sflag:s10] =	ssyncset.done $0x0  }
0x60: {  	s2 =	sadd.s32 $0x300, s0;
	[sflag:s10] =	ssyncadd.s32 $0xFFFFE000  }
0x61: {  	[tilespmem:s18], [sflag:$0x3] =	stream.indirect.gather [hbm4b:s5+s13], $0x80, s2, s13, $0xb8;
	[tilespmem:$0x1E400] =	vst v63  }
0x62: {  	_ =	swait.ge [sflag:s25], $0x2000  }
0x63: {  	[sflag:s25] =	ssyncset.done $0x0  }
.Ltmp0:
0x64: {  	s2 =	sadd.s32 $0x1580, s0;
	[sflag:s25] =	ssyncadd.s32 $0xFFFFE000;
	(pc) =	sbr.rel @p0 .LBB2_3-.Ltmp0, $4  }
0x65: {  	[spmem:s3] =	stream.indirect.scatter.add.f32 [tilespmem:s20], [sflag:$0x5], $0x80, s2, s13, $0xb8;
	[tilespmem:$0x1E400] =	vst v63  }
0x66: {  	_ =	swait.ge [sflag:s10], $0x2000  }
0x67: {  	[sflag:s10] =	ssyncset.done $0x0  }
0x68: {  	s0 =	sadd.s32 $0x380, s0;
	[sflag:s10] =	ssyncadd.s32 $0xFFFFE000  }
0x69: {  	[tilespmem:s20], [sflag:$0x4] =	stream.indirect.gather [hbm4b:s5+s13], $0x80, s0, s13, $0xb8;
	[tilespmem:$0x1E400] =	vst v63  }
0x6a: {  	_ =	swait.ge [sflag:s21], $0x2000  }
0x6b: {  	[sflag:s21] =	ssyncset.done $0x0  }
0x6c: {  	[sflag:s21] =	ssyncadd.s32 $0xFFFFE000  }
0x6d: {  	[spmem:s3] =	stream.indirect.scatter.add.f32 [tilespmem:s14], [sflag:$0x5], $0x80, s26, s13, $0xb8;
	[tilespmem:$0x1E400] =	vst v63  }
0x6e: {  	_ =	swait.ge [sflag:s10], $0x2000  }
0x6f: {  	[sflag:s10] =	ssyncset.done $0x0  }
0x70: {  	[sflag:s10] =	ssyncadd.s32 $0xFFFFE000  }
0x71: {  	_ =	swait.ge [sflag:s22], $0x2000  }
0x72: {  	[sflag:s22] =	ssyncset.done $0x0  }
0x73: {  	[sflag:s22] =	ssyncadd.s32 $0xFFFFE000  }
0x74: {  	[spmem:s3] =	stream.indirect.scatter.add.f32 [tilespmem:s16], [sflag:$0x5], $0x80, s28, s13, $0xb8;
	[tilespmem:$0x1E400] =	vst v63  }
0x75: {  	_ =	swait.ge [sflag:s10], $0x2000  }
0x76: {  	[sflag:s10] =	ssyncset.done $0x0  }
0x77: {  	[sflag:s10] =	ssyncadd.s32 $0xFFFFE000  }
0x78: {  	_ =	swait.ge [sflag:s23], $0x2000  }
0x79: {  	[sflag:s23] =	ssyncset.done $0x0  }
0x7a: {  	[sflag:s23] =	ssyncadd.s32 $0xFFFFE000  }
0x7b: {  	[spmem:s3] =	stream.indirect.scatter.add.f32 [tilespmem:s18], [sflag:$0x5], $0x80, s29, s13, $0xb8;
	[tilespmem:$0x1E400] =	vst v63  }
0x7c: {  	_ =	swait.ge [sflag:s10], $0x2000  }
0x7d: {  	[sflag:s10] =	ssyncset.done $0x0  }
0x7e: {  	[sflag:s10] =	ssyncadd.s32 $0xFFFFE000  }
0x7f: {  	s31 =	sadd.s32 $0x1, s31;
	_ =	swait.ge [sflag:s25], $0x2000  }
0x80: {  	p0 =	sne.s32 s31, $0x4;
	[sflag:s25] =	ssyncset.done $0x0  }
.Ltmp1:
0x81: {  	[sflag:s25] =	ssyncadd.s32 $0xFFFFE000;
	(pc) =	sbr.rel @p0 .LBB2_2-.Ltmp1, $4  }
0x82: {  	[spmem:s3] =	stream.indirect.scatter.add.f32 [tilespmem:s20], [sflag:$0x5], $0x80, s30, s13, $0xb8;
	[tilespmem:$0x1E400] =	vst v63  }
0x83: {  	_ =	swait.ge [sflag:s10], $0x2000  }
0x84: {  	[sflag:s10] =	ssyncset.done $0x0  }
0x85: {  	[sflag:s10] =	ssyncadd.s32 $0xFFFFE000  }
0x86: {  	s4 =	sadd.s32 $0x1, s4  }
0x87: {  	p0 =	sne.s32 s4, s8  }
.Ltmp2:
0x88: {  	[bflag:$0x0] =	sbarrier.arrive $0xFFFF;
	(pc) =	sbr.rel @p0 .LBB2_1-.Ltmp2, $4  }
0x89: {  	[hbm:s24], [sflag:s6] =	dma.local [spmem:s9], $0x2780  }
0x8a: {  	_ =	swait.ge [sflag:s10], $0x2780  }
0x8b: {  	[sflag:s10] =	ssyncset.done $0x0  }
0x8c: {  	[sflag:s10] =	ssyncadd.s32 $0xFFFFD880  }
0x8d: {  	_ =	sfence.sel $0x180000  }
0x8e: {  	[bflag:$0x0] =	sbarrier.arrive $0xFFFF  }
0x8f: {  	_ =	strace $0x9000004A  }
0x90: {  	s0 =	stileid.u32;
	[bflag:$0x2] =	sbarrier.arrive $0xFFFF  }
0x91: {  	p0 =	sne.s32 s0, $0x0;
	s0 =	rddreg [dreg:$0x3]  }
0x92: {  	s0 =	sadd.s32 @!p0 $0x100000, s0  }
0x93: {  	[sflag:s0] =	ssyncadd.tile.s32 @!p0 $0x1;
	_ =	shalt  }
.Lfunc_end2:
_tile_overlayer_lowered:
.L_overlay_start_2:
0x94: {  	(tag) =	ssettag $0x2  }
0x95: {  	s0 =	rddreg [dreg:$0x0];
	s2 =	stileid.u32  }
0x96: {  	s1 =	rddreg [dreg:$0x1];
	p0 =	sne.s32 s2, $0x0  }
0x97: {  	s3 =	rddreg [dreg:$0x2];
	[bflag:$0x3] =	sbarrier.arrive $0xFFFF;
	s2 =	simm.s32 @!p0 $0x1C05  }
0x98: {  	[timem:s3], [sflag:s2] =	dma.local @!p0 [hbm:s0], s1  }
0x99: {  	s0 =	simm.s32 @!p0 $0x5  }
0x9a: {  	_ =	swait.ge @!p0 [sflag:s0], s1  }
0x9b: {  	s1 =	ssub.s32 @!p0 $0x0, s1;
	[sflag:s0] =	ssyncset.done @!p0 $0x0  }
0x9c: {  	[sflag:s0] =	ssyncadd.s32 @!p0 s1  }
0x9d: {  	[bflag:$0x3] =	sbarrier.arrive $0xFFFF  }
0x9e: {  	_ =	shalt  }

// kernel: kernel.9.cloned.1.call-start
scs
__scs_entry_jumppad:
0x0: {  	(pc) =	sbr.rel $0x88, $3  }
0x1: {  	(tag) =	ssettag $0x0;
	lr =	simm.s32 $0x1  }
0x2: {  	[smem:$0x3F99] =	sst lr;
	_ =	strace $0xD0000000  }
0x3: {  	_ = 	snop  }
0x4: {  	_ = 	snop  }
0x5: {  	_ = 	snop  }
0x6: {  	_ = 	snop  }
0x7: {  	_ = 	snop  }
__scs_overlays_trampoline_lowered:
0x8: {  	[smem:$0x3FA8] =	sst s0  }
0x9: {  	[smem:$0x3FA9] =	sst s1  }
0xa: {  	[smem:$0x3FAA] =	sst s2  }
0xb: {  	[smem:$0x3FAB] =	sst s3  }
0xc: {  	[smem:$0x3FAC] =	sst s4  }
0xd: {  	[smem:$0x3FAD] =	sst s5  }
0xe: {  	[smem:$0x3FAE] =	sst s6  }
0xf: {  	[smem:$0x3FAF] =	sst s7  }
0x10: {  	[smem:$0x3FB0] =	sst s8  }
0x11: {  	[smem:$0x3FB1] =	sst s9;
	s0 =	simm.s32 @!p0 $0x0  }
0x12: {  	s1 =	sld [smem:$0x3F97];
	s0 =	simm.s32 @p0 $0x1  }
0x13: {  	[smem:$0x3FB2] =	sst s0;
	s0 =	simm.s32 @!p1 $0x0  }
0x14: {  	s2 =	sld [smem:$0x3F96];
	s0 =	simm.s32 @p1 $0x1  }
0x15: {  	[smem:$0x3FB3] =	sst s0;
	s0 =	simm.s32 @!p2 $0x0  }
0x16: {  	s3 =	sld [smem:$0x3FDB];
	s0 =	simm.s32 @p2 $0x1  }
0x17: {  	s4 =	simm.s32 $0x1BF5;
	[smem:$0x3FB5] =	sst s0  }
0x18: {  	s0 =	sld [smem:$0x3F98];
	_ =	swait.ge [sflag:s4], $0x0  }
0x19: {  	s7 =	sld [smem:$0x3F99]  }
0x1a: {  	s8 =	sadd.s32 $0xFFFFE003, lr  }
0x1b: {  	s9 =	sadd.s32 $0xFFFFFEF7, lr;
	s5 =	simm.s32 $0xFFFFFFFF;
	p2 =	slt.u32 s8, $0xFFFFF086  }
0x1c: {  	p1 =	slt.u32 s9, $0xF7A;
	s5 =	simm.s32 @!p2 $0x0  }
0x1d: {  	s5 =	simm.s32 @p1 $0x1;
	p0 =	seq.s32 s7, s2  }
0x1e: {  	s7 =	smul.u32 @!p0 $0xF7A, s2;
	p2 =	seq.s32 @!p0 s5, $0x0  }
0x1f: {  	s9 =	smul.u32 $0xF7A, s1;
	s8 =	simm.s32 @!p0 $0x1BF5;
	p2 =	por !p2, p0  }
0x20: {  	[sflag:s8] =	ssyncset.s32 @!p0 $0xFFFFF086;
	s6 =	sadd.s32 @!p0 s3, s7;
	s7 =	simm.s32 @!p0 $0x108  }
0x21: {  	s3 =	sadd.s32 s3, s9;
	s6 =	sadd.s32 @!p0 $0x88, s6;
	s7 =	simm.s32 @p2 $0x1082  }
0x22: {  	[simem:s7], [sflag:s8] =	dma.local @!p0 [hbm:s6], $0xF7A  }
0x23: {  	s9 =	sor.u32 $0xD0000000, s2;
	s6 =	simm.s32 $0x108;
	_ =	swait.ge @!p0 [sflag:s8], $0x0  }
0x24: {  	s3 =	sadd.s32 $0x88, s3;
	s6 =	simm.s32 @!p1 $0x1082;
	[sflag:s4] =	ssyncset.s32 $0xFFFFF086  }
0x25: {  	[simem:s6], [sflag:s4] =	dma.local [hbm:s3], $0xF7A  }
0x26: {  	[smem:$0x3F99] =	sst s1;
	(tag) =	ssettag s2;
	_ =	strace s9  }
0x27: {  	s1 =	sld [smem:$0x3FA9]  }
0x28: {  	s2 =	sld [smem:$0x3FAA]  }
0x29: {  	s4 =	sld [smem:$0x3FAC]  }
0x2a: {  	p0 =	seq.s32 s5, $0x0;
	s5 =	sld [smem:$0x3FAD]  }
0x2b: {  	s6 =	sld [smem:$0x3FAE]  }
0x2c: {  	s7 =	sld [smem:$0x3FAF]  }
0x2d: {  	s3 =	simm.s32 $0x108;
	s8 =	sld [smem:$0x3FB0]  }
0x2e: {  	s3 =	simm.s32 @!p0 $0x1082;
	s9 =	sld [smem:$0x3FB1]  }
0x2f: {  	lr =	sadd.s32 s0, s3;
	s0 =	sld [smem:$0x3FA8]  }
0x30: {  	s3 =	sld [smem:$0x3FAB]  }
0x31: {  	[smem:$0x3FB4] =	sst s10  }
0x32: {  	s10 =	sld [smem:$0x3FB2];
	_ =	sdelay $0x3  }
0x33: {  	p0 =	seq.s32 s10, $0x1;
	s10 =	sld [smem:$0x3FB4];
	_ =	sdelay $0x3  }
0x34: {  	[smem:$0x3FB4] =	sst s10  }
0x35: {  	s10 =	sld [smem:$0x3FB3];
	_ =	sdelay $0x3  }
0x36: {  	p1 =	seq.s32 s10, $0x1;
	s10 =	sld [smem:$0x3FB4];
	_ =	sdelay $0x3  }
0x37: {  	[smem:$0x3FB4] =	sst s10  }
0x38: {  	s10 =	sld [smem:$0x3FB5]  }
0x39: {  	_ = 	snop;
	(pc) =	sbr.ind lr, $3  }
0x3a: {  	_ = 	snop  }
0x3b: {  	_ = 	snop  }
0x3c: {  	p2 =	seq.s32 s10, $0x1;
	s10 =	sld [smem:$0x3FB4]  }
0x3d: {  	_ =	shalt  }
0x3e: {  	_ =	shalt  }
0x3f: {  	_ =	shalt  }
0x40: {  	_ =	shalt  }
0x41: {  	_ =	shalt  }
0x42: {  	_ =	shalt  }
0x43: {  	_ =	shalt  }
0x44: {  	_ =	shalt  }
0x45: {  	_ =	shalt  }
0x46: {  	_ =	shalt  }
0x47: {  	_ =	shalt  }
0x48: {  	_ =	shalt  }
0x49: {  	_ =	shalt  }
0x4a: {  	_ =	shalt  }
0x4b: {  	_ =	shalt  }
0x4c: {  	_ =	shalt  }
0x4d: {  	_ =	shalt  }
0x4e: {  	_ =	shalt  }
0x4f: {  	_ =	shalt  }
0x50: {  	_ =	shalt  }
0x51: {  	_ =	shalt  }
0x52: {  	_ =	shalt  }
0x53: {  	_ =	shalt  }
0x54: {  	_ =	shalt  }
0x55: {  	_ =	shalt  }
0x56: {  	_ =	shalt  }
0x57: {  	_ =	shalt  }
0x58: {  	_ =	shalt  }
0x59: {  	_ =	shalt  }
0x5a: {  	_ =	shalt  }
0x5b: {  	_ =	shalt  }
0x5c: {  	_ =	shalt  }
0x5d: {  	_ =	shalt  }
0x5e: {  	_ =	shalt  }
0x5f: {  	_ =	shalt  }
0x60: {  	_ =	shalt  }
0x61: {  	_ =	shalt  }
0x62: {  	_ =	shalt  }
0x63: {  	_ =	shalt  }
0x64: {  	_ =	shalt  }
0x65: {  	_ =	shalt  }
0x66: {  	_ =	shalt  }
0x67: {  	_ =	shalt  }
0x68: {  	_ =	shalt  }
0x69: {  	_ =	shalt  }
0x6a: {  	_ =	shalt  }
0x6b: {  	_ =	shalt  }
0x6c: {  	_ =	shalt  }
0x6d: {  	_ =	shalt  }
0x6e: {  	_ =	shalt  }
0x6f: {  	_ =	shalt  }
0x70: {  	_ =	shalt  }
0x71: {  	_ =	shalt  }
0x72: {  	_ =	shalt  }
0x73: {  	_ =	shalt  }
0x74: {  	_ =	shalt  }
0x75: {  	_ =	shalt  }
0x76: {  	_ =	shalt  }
0x77: {  	_ =	shalt  }
0x78: {  	_ =	shalt  }
0x79: {  	_ =	shalt  }
0x7a: {  	_ =	shalt  }
0x7b: {  	_ =	shalt  }
0x7c: {  	_ =	shalt  }
0x7d: {  	_ =	shalt  }
0x7e: {  	_ =	shalt  }
0x7f: {  	_ =	shalt  }
0x80: {  	_ =	shalt  }
0x81: {  	_ =	shalt  }
0x82: {  	_ =	shalt  }
0x83: {  	_ =	shalt  }
0x84: {  	_ =	shalt  }
0x85: {  	_ =	shalt  }
0x86: {  	_ =	shalt  }
0x87: {  	_ =	shalt  }
.Lfunc_end0:
.L_simem_size_0:
called_computation_lowered:
.L_overlay_start_0:
0x88: {  	s2 =	sld [smem:$0x3FD9]  }
0x89: {  	s3 =	sld [smem:$0x3FFE];
	_ =	sdelay $0x1  }
0x8a: {  	s1 =	srdreg.scid  }
0x8b: {  	s0 =	sand.u32 $0x1, s1  }
0x8c: {  	s17 =	sshll.u32 s0, $0xA;
	s2 =	sadd.s32 s3, s2  }
0x8d: {  	s2 =	sadd.s32 s2, s17  }
0x8e: {  	[smem:$0x3FC0] =	sst s2  }
0x8f: {  	_ = 	snop  }
0x90: {  	s2 =	sld [smem:$0x3FD0];
	(tm) =	ssettm $0x1  }
0x91: {  	s18 =	sld [smem:$0x3FFB];
	_ =	sdelay $0x3  }
0x92: {  	_ =	strace s18  }
0x93: {  	s3 =	sld [smem:$0x3FFC];
	_ =	sdelay $0x3  }
0x94: {  	_ =	strace s3  }
0x95: {  	s3 =	sld [smem:$0x3FFD];
	_ =	sdelay $0x3  }
0x96: {  	_ =	strace s3  }
0x97: {  	_ =	strace $0x8FFFFFFF  }
0x98: {  	s19 =	sld [smem:$0x3FDB];
	_ =	sdelay $0x1  }
0x99: {  	s4 =	simm.s32 $_scs_section_size  }
0x9a: {  	s5 =	simm.s32 $_size__tile_overlayer_lowered;
	s6 =	simm.s32 $_tile_overlayer_lowered  }
0x9b: {  	s22 =	simm.s32 $0x1BFF;
	s21 =	sshll.u32 s6, $0x1;
	s3 =	sadd.s32 s4, s19  }
0x9c: {  	s7 =	simm.s32 $0x0;
	s20 =	sshll.u32 s5, $0x1;
	s5 =	sadd.s32 s21, s3  }
0x9d: {  	[timem:s7], [sflag:s22] =	dma.local [hbm:s5], s20  }
0x9e: {  	_ =	swait.ge [sflag:s22], s20  }
0x9f: {  	s4 =	ssub.s32 $0x0, s20;
	[sflag:s22] =	ssyncset.done $0x0  }
0xa0: {  	[sflag:s22] =	ssyncadd.s32 s4;
	_ =	sdelay $0x1  }
0xa1: {  	s23 =	simm.s32 $0x1B8B  }
0xa2: {  	_ =	swait.ge [sflag:s23], $0x1  }
0xa3: {  	[sflag:s23] =	ssyncset.done $0x0  }
0xa4: {  	s25 =	simm.s32 $0x1B8E;
	s24 =	sld [smem:$0x3FFE];
	[sflag:s23] =	ssyncadd.s32 $0xFFFFFFFF  }
0xa5: {  	s26 =	simm.s32 $execute0_lowered;
	[smem:$0x3FD2] =	sst s25  }
0xa6: {  	s5 =	sshll.u32 s26, $0x1;
	_ =	strace $0x80000046;
	[dreg:$0x1] =	wrdreg $0xFFFFFFFF  }
0xa7: {  	s28 =	simm.s32 $_size_execute0_lowered;
	s3 =	sadd.s32 s3, s5;
	[dreg:$0x0] =	wrdreg $0x0  }
0xa8: {  	s5 =	sshll.u32 s28, $0x1;
	[dreg:$0x2] =	wrdreg s3  }
0xa9: {  	[dreg:$0x3] =	wrdreg s5  }
0xaa: {  	[dreg:$0x4] =	wrdreg $0xC0  }
0xab: {  	_ =	task [dreg:s7], $0x5FFFF  }
0xac: {  	[dreg:$0x1] =	wrdreg $0xFFFFFFFF  }
0xad: {  	[dreg:$0x0] =	wrdreg $0x60  }
0xae: {  	[dreg:$0x2] =	wrdreg s24  }
0xaf: {  	[dreg:$0x3] =	wrdreg s2  }
0xb0: {  	[dreg:$0x4] =	wrdreg $0xA8000  }
0xb1: {  	[dreg:$0x5] =	wrdreg $0x9  }
0xb2: {  	_ =	task.clear_ibuf [dreg:s7], $0x6FFFF;
	_ =	strace $0x90000046  }
0xb3: {  	s29 =	simm.s32 $0x9;
	_ =	strace $0x80000048  }
0xb4: {  	_ =	swait.ge [sflag:s29], $0x1  }
0xb5: {  	[sflag:s29] =	ssyncadd.s32 $0xFFFFFFFF  }
0xb6: {  	_ =	strace $0x90000048  }
0xb7: {  	_ =	sfence  }
0xb8: {  	s30 =	sld [smem:$0x0];
	_ =	sdelay $0x2  }
0xb9: {  	s31 =	sshll.u32 s1, $0xD;
	s1 =	sshrl.u32 s1, $0x2  }
0xba: {  	s3 =	sand.u32 $0x4000, s31;
	s1 =	sadd.s32 s1, s30  }
0xbb: {  	s0 =	sor.u32 s3, s0;
	s1 =	sshll.u32 s1, $0x11  }
0xbc: {  	s0 =	sor.u32 s1, s0  }
0xbd: {  	s0 =	sadd.s32 $0x8F2B, s0  }
0xbe: {  	[sflag:s0] =	ssyncadd.remote.s32 $0x1  }
0xbf: {  	_ =	sfence.sel $0xFFFF  }
0xc0: {  	[dreg:$0x0] =	wrdreg $0xFFFFFFFF;
	(pc) =	sbr.abs _section_cstart, $3  }
0xc1: {  	[dreg:$0x1] =	wrdreg $0xFFFFFFFF  }
0xc2: {  	_ =	task.clear_ibuf [dreg:s7], $0x2FFFF;
	_ =	strace $0x9FFFFFFF  }
0xc3: {  	(tm) =	ssettm $0x7FFFFFFF  }
tec
execute0_lowered:
.L_overlay_start_1:
0x0: {  	(tag) =	ssettag $0x1  }
0x1: {  	s0 =	rddreg [dreg:$0x0];
	s1 =	srdreg.scid  }
0x2: {  	s2 =	stileid.u32;
	s3 =	rddreg [dreg:$0x2]  }
0x3: {  	s12 =	simm.s32 $0x1400;
	s13 =	simm.s32 $0x40;
	s14 =	simm.s32 $0x2800  }
0x4: {  	s15 =	simm.s32 $0x80;
	s16 =	simm.s32 $0x4800;
	s17 =	simm.s32 $0x100  }
0x5: {  	s18 =	simm.s32 $0x6800;
	s19 =	simm.s32 $0x180;
	s20 =	simm.s32 $0x8800  }
0x6: {  	s21 =	simm.s32 $0x1;
	s22 =	simm.s32 $0x2;
	s23 =	simm.s32 $0x3  }
0x7: {  	s28 =	simm.s32 $0x2680;
	s29 =	simm.s32 $0x2700;
	s30 =	simm.s32 $0x2780  }
0x8: {  	s1 =	sand.u32 $0x1, s1;
	s4 =	sshll.u32 s2, $0x1;
	s7 =	smul.u32 $0x4F000, s2  }
0x9: {  	s31 =	sshll.u32 s2, $0x6;
	s25 =	smul.u32 $0x2780, s2;
	s5 =	sor.u32 s1, s4  }
0xa: {  	s4 =	simm.s32 $0x0;
	s6 =	smul.u32 $0x27800, s1;
	s1 =	ssub.s32 $0x2, s1  }
0xb: {  	s11 =	smul.u32 $0xA00, s5;
	[smem:$0x7FF] =	sst s4;
	s5 =	sadd.s32 $0x2A600, s0  }
0xc: {  	s26 =	sshrl.u32 s1, $0x1;
	s7 =	sshrl.u32 s7, $0x2;
	_ =	strace $0x80000047  }
0xd: {  	s9 =	sadd.s32 s6, s0;
	s1 =	ssub.s32 s1, s26;
	s10 =	sadd.s32 s7, s3  }
0xe: {  	s6 =	sor.u32 $0x1C05, s31;
	s26 =	simm.s32 $0x2600;
	s8 =	sadd.s32 s11, s0  }
0xf: {  	s0 =	sadd.s32 $0x16600, s0;
	s24 =	sadd.s32 $0x51800, s9;
	s9 =	sshrl.u32 s10, $0x3  }
0x10: {  	s10 =	simm.s32 $0x5;
	s7 =	sadd.s32 $0x2600, s8;
	s8 =	smax.u32 s1, $0x1  }
0x11: {  	s11 =	sadd.s32 s11, s0;
	s24 =	sadd.s32 s25, s24;
	s25 =	simm.s32 $0x4  }
.LBB2_1:
0x12: {  	s0 =	rddreg [dreg:$0x1]  }
0x13: {  	[spmem:s9], [sflag:s6] =	dma.local [hbm:s0], $0x2780  }
0x14: {  	_ =	swait.ge [sflag:s10], $0x2780  }
0x15: {  	[sflag:s10] =	ssyncset.done $0x0  }
0x16: {  	[sflag:s10] =	ssyncadd.s32 $0xFFFFD880  }
0x17: {  	s31 =	simm.s32 $0x0;
	[bflag:$0x0] =	sbarrier.arrive $0xFFFF  }
.LBB2_2:
0x18: {  	s0 =	smul.u32 $0x280, s31;
	_ =	sdelay $0x1  }
0x19: {  	s2 =	simm.s32 $0x0;
	s1 =	sadd.s32 s0, s7  }
0x1a: {  	[tilespmem:s2], [sflag:$0x5] =	stream.linear.gather [hbm4b:s1+s2], $0x1400, $0x38;
	[tilespmem:$0x1E400] =	vst v63  }
0x1b: {  	_ =	swait.ge [sflag:s10], $0x1400  }
0x1c: {  	[sflag:s10] =	ssyncset.done $0x0  }
0x1d: {  	s0 =	sadd.s32 s0, s11;
	[sflag:s10] =	ssyncadd.s32 $0xFFFFEC00  }
0x1e: {  	[tilespmem:s12], [sflag:$0x5] =	stream.linear.gather [hbm4b:s0+s2], $0x1400, $0x38;
	[tilespmem:$0x1E400] =	vst v63  }
0x1f: {  	_ =	swait.ge [sflag:s10], $0x1400  }
0x20: {  	[sflag:s10] =	ssyncset.done $0x0  }
0x21: {  	[sflag:s10] =	ssyncadd.s32 $0xFFFFEC00  }
0x22: {  	[tilespmem:s14], [sflag:$0x1] =	stream.indirect.gather [hbm4b:s5+s13], $0x80, s2, s13, $0xb8;
	[tilespmem:$0x1E400] =	vst v63  }
0x23: {  	_ = 	snop  }
0x24: {  	[tilespmem:s16], [sflag:$0x2] =	stream.indirect.gather [hbm4b:s5+s13], $0x80, s15, s13, $0xb8;
	[tilespmem:$0x1E400] =	vst v63  }
0x25: {  	_ = 	snop  }
0x26: {  	[tilespmem:s18], [sflag:$0x3] =	stream.indirect.gather [hbm4b:s5+s13], $0x80, s17, s13, $0xb8;
	[tilespmem:$0x1E400] =	vst v63  }
0x27: {  	_ = 	snop  }
0x28: {  	[tilespmem:s20], [sflag:$0x4] =	stream.indirect.gather [hbm4b:s5+s13], $0x80, s19, s13, $0xb8;
	[tilespmem:$0x1E400] =	vst v63  }
0x29: {  	_ =	swait.ge [sflag:s21], $0x2000  }
0x2a: {  	[sflag:s21] =	ssyncset.done $0x0  }
0x2b: {  	s2 =	simm.s32 $0x1400;
	[sflag:s21] =	ssyncadd.s32 $0xFFFFE000  }
0x2c: {  	[spmem:s3] =	stream.indirect.scatter.add.f32 [tilespmem:s14], [sflag:$0x5], $0x80, s2, s13, $0xb8;
	[tilespmem:$0x1E400] =	vst v63  }
0x2d: {  	_ =	swait.ge [sflag:s10], $0x2000  }
0x2e: {  	[sflag:s10] =	ssyncset.done $0x0  }
0x2f: {  	s1 =	simm.s32 $0x200;
	[sflag:s10] =	ssyncadd.s32 $0xFFFFE000  }
0x30: {  	[tilespmem:s14], [sflag:$0x1] =	stream.indirect.gather [hbm4b:s5+s13], $0x80, s1, s13, $0xb8;
	[tilespmem:$0x1E400] =	vst v63  }
0x31: {  	_ =	swait.ge [sflag:s22], $0x2000  }
0x32: {  	[sflag:s22] =	ssyncset.done $0x0  }
0x33: {  	s2 =	simm.s32 $0x1480;
	[sflag:s22] =	ssyncadd.s32 $0xFFFFE000  }
0x34: {  	[spmem:s3] =	stream.indirect.scatter.add.f32 [tilespmem:s16], [sflag:$0x5], $0x80, s2, s13, $0xb8;
	[tilespmem:$0x1E400] =	vst v63  }
0x35: {  	_ =	swait.ge [sflag:s10], $0x2000  }
0x36: {  	[sflag:s10] =	ssyncset.done $0x0  }
0x37: {  	s1 =	simm.s32 $0x280;
	[sflag:s10] =	ssyncadd.s32 $0xFFFFE000  }
0x38: {  	[tilespmem:s16], [sflag:$0x2] =	stream.indirect.gather [hbm4b:s5+s13], $0x80, s1, s13, $0xb8;
	[tilespmem:$0x1E400] =	vst v63  }
0x39: {  	_ =	swait.ge [sflag:s23], $0x2000  }
0x3a: {  	[sflag:s23] =	ssyncset.done $0x0  }
0x3b: {  	s2 =	simm.s32 $0x1500;
	[sflag:s23] =	ssyncadd.s32 $0xFFFFE000  }
0x3c: {  	[spmem:s3] =	stream.indirect.scatter.add.f32 [tilespmem:s18], [sflag:$0x5], $0x80, s2, s13, $0xb8;
	[tilespmem:$0x1E400] =	vst v63  }
0x3d: {  	_ =	swait.ge [sflag:s10], $0x2000  }
0x3e: {  	[sflag:s10] =	ssyncset.done $0x0  }
0x3f: {  	s1 =	simm.s32 $0x300;
	[sflag:s10] =	ssyncadd.s32 $0xFFFFE000  }
0x40: {  	[tilespmem:s18], [sflag:$0x3] =	stream.indirect.gather [hbm4b:s5+s13], $0x80, s1, s13, $0xb8;
	[tilespmem:$0x1E400] =	vst v63  }
0x41: {  	_ =	swait.ge [sflag:s25], $0x2000  }
0x42: {  	[sflag:s25] =	ssyncset.done $0x0  }
0x43: {  	s2 =	simm.s32 $0x1580;
	[sflag:s25] =	ssyncadd.s32 $0xFFFFE000  }
0x44: {  	[spmem:s3] =	stream.indirect.scatter.add.f32 [tilespmem:s20], [sflag:$0x5], $0x80, s2, s13, $0xb8;
	[tilespmem:$0x1E400] =	vst v63  }
0x45: {  	_ =	swait.ge [sflag:s10], $0x2000  }
0x46: {  	[sflag:s10] =	ssyncset.done $0x0  }
0x47: {  	s0 =	simm.s32 $0x380;
	s1 =	simm.s32 $0x800;
	[sflag:s10] =	ssyncadd.s32 $0xFFFFE000  }
.LBB2_3:
0x48: {  	[tilespmem:s20], [sflag:$0x4] =	stream.indirect.gather [hbm4b:s5+s13], $0x80, s0, s13, $0xb8;
	[tilespmem:$0x1E400] =	vst v63  }
0x49: {  	s0 =	smov.u32 s1  }
0x4a: {  	p0 =	sne.s32 s1, $0x4000;
	s1 =	sadd.s32 $0x800, s1;
	_ =	swait.ge [sflag:s21], $0x2000  }
0x4b: {  	s0 =	sshra.s32 s0, $0x2;
	[sflag:s21] =	ssyncset.done $0x0  }
0x4c: {  	s2 =	sadd.s32 $0x1400, s0;
	[sflag:s21] =	ssyncadd.s32 $0xFFFFE000  }
0x4d: {  	[spmem:s3] =	stream.indirect.scatter.add.f32 [tilespmem:s14], [sflag:$0x5], $0x80, s2, s13, $0xb8;
	[tilespmem:$0x1E400] =	vst v63  }
0x4e: {  	_ =	swait.ge [sflag:s10], $0x2000  }
0x4f: {  	[sflag:s10] =	ssyncset.done $0x0  }
0x50: {  	s2 =	sadd.s32 $0x200, s0;
	[sflag:s10] =	ssyncadd.s32 $0xFFFFE000  }
0x51: {  	[tilespmem:s14], [sflag:$0x1] =	stream.indirect.gather [hbm4b:s5+s13], $0x80, s2, s13, $0xb8;
	[tilespmem:$0x1E400] =	vst v63  }
0x52: {  	_ =	swait.ge [sflag:s22], $0x2000  }
0x53: {  	[sflag:s22] =	ssyncset.done $0x0  }
0x54: {  	s2 =	sadd.s32 $0x1480, s0;
	[sflag:s22] =	ssyncadd.s32 $0xFFFFE000  }
0x55: {  	[spmem:s3] =	stream.indirect.scatter.add.f32 [tilespmem:s16], [sflag:$0x5], $0x80, s2, s13, $0xb8;
	[tilespmem:$0x1E400] =	vst v63  }
0x56: {  	_ =	swait.ge [sflag:s10], $0x2000  }
0x57: {  	[sflag:s10] =	ssyncset.done $0x0  }
0x58: {  	s2 =	sadd.s32 $0x280, s0;
	[sflag:s10] =	ssyncadd.s32 $0xFFFFE000  }
0x59: {  	[tilespmem:s16], [sflag:$0x2] =	stream.indirect.gather [hbm4b:s5+s13], $0x80, s2, s13, $0xb8;
	[tilespmem:$0x1E400] =	vst v63  }
0x5a: {  	_ =	swait.ge [sflag:s23], $0x2000  }
0x5b: {  	[sflag:s23] =	ssyncset.done $0x0  }
0x5c: {  	s2 =	sadd.s32 $0x1500, s0;
	[sflag:s23] =	ssyncadd.s32 $0xFFFFE000  }
0x5d: {  	[spmem:s3] =	stream.indirect.scatter.add.f32 [tilespmem:s18], [sflag:$0x5], $0x80, s2, s13, $0xb8;
	[tilespmem:$0x1E400] =	vst v63  }
0x5e: {  	_ =	swait.ge [sflag:s10], $0x2000  }
0x5f: {  	[sflag:s10] =	ssyncset.done $0x0  }
0x60: {  	s2 =	sadd.s32 $0x300, s0;
	[sflag:s10] =	ssyncadd.s32 $0xFFFFE000  }
0x61: {  	[tilespmem:s18], [sflag:$0x3] =	stream.indirect.gather [hbm4b:s5+s13], $0x80, s2, s13, $0xb8;
	[tilespmem:$0x1E400] =	vst v63  }
0x62: {  	_ =	swait.ge [sflag:s25], $0x2000  }
0x63: {  	[sflag:s25] =	ssyncset.done $0x0  }
.Ltmp0:
0x64: {  	s2 =	sadd.s32 $0x1580, s0;
	[sflag:s25] =	ssyncadd.s32 $0xFFFFE000;
	(pc) =	sbr.rel @p0 .LBB2_3-.Ltmp0, $4  }
0x65: {  	[spmem:s3] =	stream.indirect.scatter.add.f32 [tilespmem:s20], [sflag:$0x5], $0x80, s2, s13, $0xb8;
	[tilespmem:$0x1E400] =	vst v63  }
0x66: {  	_ =	swait.ge [sflag:s10], $0x2000  }
0x67: {  	[sflag:s10] =	ssyncset.done $0x0  }
0x68: {  	s0 =	sadd.s32 $0x380, s0;
	[sflag:s10] =	ssyncadd.s32 $0xFFFFE000  }
0x69: {  	[tilespmem:s20], [sflag:$0x4] =	stream.indirect.gather [hbm4b:s5+s13], $0x80, s0, s13, $0xb8;
	[tilespmem:$0x1E400] =	vst v63  }
0x6a: {  	_ =	swait.ge [sflag:s21], $0x2000  }
0x6b: {  	[sflag:s21] =	ssyncset.done $0x0  }
0x6c: {  	[sflag:s21] =	ssyncadd.s32 $0xFFFFE000  }
0x6d: {  	[spmem:s3] =	stream.indirect.scatter.add.f32 [tilespmem:s14], [sflag:$0x5], $0x80, s26, s13, $0xb8;
	[tilespmem:$0x1E400] =	vst v63  }
0x6e: {  	_ =	swait.ge [sflag:s10], $0x2000  }
0x6f: {  	[sflag:s10] =	ssyncset.done $0x0  }
0x70: {  	[sflag:s10] =	ssyncadd.s32 $0xFFFFE000  }
0x71: {  	_ =	swait.ge [sflag:s22], $0x2000  }
0x72: {  	[sflag:s22] =	ssyncset.done $0x0  }
0x73: {  	[sflag:s22] =	ssyncadd.s32 $0xFFFFE000  }
0x74: {  	[spmem:s3] =	stream.indirect.scatter.add.f32 [tilespmem:s16], [sflag:$0x5], $0x80, s28, s13, $0xb8;
	[tilespmem:$0x1E400] =	vst v63  }
0x75: {  	_ =	swait.ge [sflag:s10], $0x2000  }
0x76: {  	[sflag:s10] =	ssyncset.done $0x0  }
0x77: {  	[sflag:s10] =	ssyncadd.s32 $0xFFFFE000  }
0x78: {  	_ =	swait.ge [sflag:s23], $0x2000  }
0x79: {  	[sflag:s23] =	ssyncset.done $0x0  }
0x7a: {  	[sflag:s23] =	ssyncadd.s32 $0xFFFFE000  }
0x7b: {  	[spmem:s3] =	stream.indirect.scatter.add.f32 [tilespmem:s18], [sflag:$0x5], $0x80, s29, s13, $0xb8;
	[tilespmem:$0x1E400] =	vst v63  }
0x7c: {  	_ =	swait.ge [sflag:s10], $0x2000  }
0x7d: {  	[sflag:s10] =	ssyncset.done $0x0  }
0x7e: {  	[sflag:s10] =	ssyncadd.s32 $0xFFFFE000  }
0x7f: {  	s31 =	sadd.s32 $0x1, s31;
	_ =	swait.ge [sflag:s25], $0x2000  }
0x80: {  	p0 =	sne.s32 s31, $0x4;
	[sflag:s25] =	ssyncset.done $0x0  }
.Ltmp1:
0x81: {  	[sflag:s25] =	ssyncadd.s32 $0xFFFFE000;
	(pc) =	sbr.rel @p0 .LBB2_2-.Ltmp1, $4  }
0x82: {  	[spmem:s3] =	stream.indirect.scatter.add.f32 [tilespmem:s20], [sflag:$0x5], $0x80, s30, s13, $0xb8;
	[tilespmem:$0x1E400] =	vst v63  }
0x83: {  	_ =	swait.ge [sflag:s10], $0x2000  }
0x84: {  	[sflag:s10] =	ssyncset.done $0x0  }
0x85: {  	[sflag:s10] =	ssyncadd.s32 $0xFFFFE000  }
0x86: {  	s4 =	sadd.s32 $0x1, s4  }
0x87: {  	p0 =	sne.s32 s4, s8  }
.Ltmp2:
0x88: {  	[bflag:$0x0] =	sbarrier.arrive $0xFFFF;
	(pc) =	sbr.rel @p0 .LBB2_1-.Ltmp2, $4  }
0x89: {  	[hbm:s24], [sflag:s6] =	dma.local [spmem:s9], $0x2780  }
0x8a: {  	_ =	swait.ge [sflag:s10], $0x2780  }
0x8b: {  	[sflag:s10] =	ssyncset.done $0x0  }
0x8c: {  	[sflag:s10] =	ssyncadd.s32 $0xFFFFD880  }
0x8d: {  	_ =	sfence.sel $0x180000  }
0x8e: {  	[bflag:$0x0] =	sbarrier.arrive $0xFFFF  }
0x8f: {  	_ =	strace $0x90000047  }
0x90: {  	s0 =	stileid.u32;
	[bflag:$0x2] =	sbarrier.arrive $0xFFFF  }
0x91: {  	p0 =	sne.s32 s0, $0x0;
	s0 =	rddreg [dreg:$0x3]  }
0x92: {  	s0 =	sadd.s32 @!p0 $0x100000, s0  }
0x93: {  	[sflag:s0] =	ssyncadd.tile.s32 @!p0 $0x1;
	_ =	shalt  }
.Lfunc_end2:
_tile_overlayer_lowered:
.L_overlay_start_2:
0x94: {  	(tag) =	ssettag $0x2  }
0x95: {  	s0 =	rddreg [dreg:$0x0];
	s2 =	stileid.u32  }
0x96: {  	s1 =	rddreg [dreg:$0x1];
	p0 =	sne.s32 s2, $0x0  }
0x97: {  	s3 =	rddreg [dreg:$0x2];
	[bflag:$0x3] =	sbarrier.arrive $0xFFFF;
	s2 =	simm.s32 @!p0 $0x1C05  }
0x98: {  	[timem:s3], [sflag:s2] =	dma.local @!p0 [hbm:s0], s1  }
0x99: {  	s0 =	simm.s32 @!p0 $0x5  }
0x9a: {  	_ =	swait.ge @!p0 [sflag:s0], s1  }
0x9b: {  	s1 =	ssub.s32 @!p0 $0x0, s1;
	[sflag:s0] =	ssyncset.done @!p0 $0x0  }
0x9c: {  	[sflag:s0] =	ssyncadd.s32 @!p0 s1  }
0x9d: {  	[bflag:$0x3] =	sbarrier.arrive $0xFFFF  }
0x9e: {  	_ =	shalt  }

</sc_bundles>
